<compile_context>
chip_gen: v7x
topology: tpu7x:2x2x1
jax: 0.10.2.dev20260603
libtpu: 0.0.44.dev20260713+nightly
codegen_flags: <defaults>
</compile_context>

<pallas_src>
import functools

import jax
import jax.numpy as jnp
from jax import lax
from jax.experimental import pallas as pl
from jax.experimental.pallas import tpu as pltpu
from jax.experimental.pallas import tpu_sc as plsc

B, N, F = 1024, 128, 9
H = 128
NF = F + 2


def _build_sc_call():
    info = plsc.get_sparse_core_info()
    n_cores, n_sub = info.num_cores, info.num_subcores
    nw = n_cores * n_sub
    bpw = B // nw
    mesh = plsc.VectorSubcoreMesh(core_axis_name="c", subcore_axis_name="s")

    @functools.partial(
        pl.kernel,
        mesh=mesh,
        out_type=jax.ShapeDtypeStruct((B, N + 1, H), jnp.float32),
        scratch_types=[
            pltpu.VMEM((NF, N), jnp.int32),
            pltpu.VMEM((NF, N), jnp.int32),
            pltpu.VMEM((N + 1, H), jnp.float32),
            pltpu.VMEM((N + 1, H), jnp.float32),
            pltpu.SemaphoreType.DMA,
            pltpu.SemaphoreType.DMA,
            pltpu.SemaphoreType.DMA,
            pltpu.SemaphoreType.DMA,
            pltpu.SemaphoreType.DMA,
            pltpu.SemaphoreType.DMA,
        ],
    )
    def sc_call(idx_hbm, atom_hbm, ind_hbm, outd_hbm, tok_hbm, out_hbm,
                idx0, idx1, buf0, buf1, isem0, isem1, g0, g1, a0, a1):
        wid = lax.axis_index("s") * n_cores + lax.axis_index("c")
        base = wid * bpw
        idxs = (idx0, idx1)
        bufs = (buf0, buf1)
        isems = (isem0, isem1)
        gsems = (g0, g1)
        asems = (a0, a1)

        def fire_adds(s):
            dst = bufs[s].at[pl.ds(1, N)]
            cps = [pltpu.async_copy(atom_hbm.at[idxs[s].at[j]], dst,
                                    asems[s], add=True)
                   for j in range(1, F)]
            cps.append(pltpu.async_copy(ind_hbm.at[idxs[s].at[F]], dst,
                                        asems[s], add=True))
            cps.append(pltpu.async_copy(outd_hbm.at[idxs[s].at[F + 1]], dst,
                                        asems[s], add=True))
            return cps

        def wait_plane0(s):
            pltpu.make_async_copy(atom_hbm.at[idxs[s].at[0]],
                                  bufs[s].at[pl.ds(1, N)], gsems[s]).wait()

        def fire_plane0(s):
            pltpu.async_copy(atom_hbm.at[idxs[s].at[0]],
                             bufs[s].at[pl.ds(1, N)], gsems[s])

        pltpu.sync_copy(tok_hbm, buf0.at[pl.ds(0, 1)])
        pltpu.sync_copy(tok_hbm, buf1.at[pl.ds(0, 1)])

        pltpu.sync_copy(idx_hbm.at[base], idx0)
        fire_plane0(0)

        def pair_body(k, carry):
            i0 = base + 2 * k
            i1 = i0 + 1
            i2 = jnp.minimum(i0 + 2, B - 1)
            cpi1 = pltpu.async_copy(idx_hbm.at[i1], idx1, isem1)
            wait_plane0(0)
            cps0 = fire_adds(0)
            cpi1.wait()
            fire_plane0(1)
            wait_plane0(1)
            cps1 = fire_adds(1)
            for cp in cps0:
                cp.wait()
            cpi0 = pltpu.async_copy(idx_hbm.at[i2], idx0, isem0)
            pltpu.sync_copy(buf0, out_hbm.at[i0])
            cpi0.wait()
            fire_plane0(0)
            for cp in cps1:
                cp.wait()
            pltpu.sync_copy(buf1, out_hbm.at[i1])
            return carry

        lax.fori_loop(0, bpw // 2, pair_body, 0)
        wait_plane0(0)

    return sc_call


@jax.jit
def kernel(x, in_degree, out_degree, atom_W, in_degree_W, out_degree_W,
           graph_token_W):
    idx_all = jnp.concatenate(
        [x.transpose(0, 2, 1),
         in_degree[:, None, :],
         out_degree[:, None, :]], axis=1)
    sc_call = _build_sc_call()
    return sc_call(idx_all, atom_W, in_degree_W, out_degree_W, graph_token_W)

# --- scband reference (transcript-rebuilt; emitter-appended) ---
"""Pipeline reference for scband-graph-node-feature-51531017617622 (READ-ONLY COPY).

The authoritative reference and input builder live on the scoring server;
editing this copy changes nothing except your own understanding.
"""

import jax, jax.numpy as jnp
import numpy as np

B, N, F = 1024, 128, 9
H = 128
NUM_ATOMS = 100000
NUM_IN_DEG = 512
NUM_OUT_DEG = 512


def setup_inputs(seed: int = 0) -> dict:
    key = jax.random.key(seed)
    ks = jax.random.split(key, 8)
    x = jax.random.randint(ks[0], (B, N, F), 0, NUM_ATOMS + 1, dtype=jnp.int32)
    in_degree = jax.random.randint(ks[1], (B, N), 0, NUM_IN_DEG, dtype=jnp.int32)
    out_degree = jax.random.randint(ks[2], (B, N), 0, NUM_OUT_DEG, dtype=jnp.int32)
    atom_W = jax.random.normal(ks[3], (NUM_ATOMS + 1, H), dtype=jnp.float32) * 0.02
    atom_W = atom_W.at[0].set(0.0)  # padding_idx=0
    in_degree_W = jax.random.normal(ks[4], (NUM_IN_DEG, H), dtype=jnp.float32) * 0.02
    in_degree_W = in_degree_W.at[0].set(0.0)
    out_degree_W = jax.random.normal(ks[5], (NUM_OUT_DEG, H), dtype=jnp.float32) * 0.02
    out_degree_W = out_degree_W.at[0].set(0.0)
    graph_token_W = jax.random.normal(ks[6], (1, H), dtype=jnp.float32) * 0.02
    return {
        "x": x,
        "in_degree": in_degree,
        "out_degree": out_degree,
        "atom_W": atom_W,
        "in_degree_W": in_degree_W,
        "out_degree_W": out_degree_W,
        "graph_token_W": graph_token_W,
    }


def reference(x, in_degree, out_degree, atom_W, in_degree_W, out_degree_W, graph_token_W):
    # atom_encoder(x).sum(dim=-2): gather per atom-feature then sum over feature axis
    node_feature = jnp.take(atom_W, x, axis=0).sum(axis=-2)
    # no_2d=False: add in/out degree embeddings (mask_2d is None)
    degree_feature = jnp.take(in_degree_W, in_degree, axis=0) + jnp.take(out_degree_W, out_degree, axis=0)
    node_feature = node_feature + degree_feature
    # args.ft=True so the atom-mask branch is skipped
    n_graph = x.shape[0]
    graph_token_feature = jnp.broadcast_to(graph_token_W[None, :, :], (n_graph, 1, graph_token_W.shape[1]))
    graph_node_feature = jnp.concatenate([graph_token_feature, node_feature], axis=1)
    return graph_node_feature

if __name__ == "__main__":
    import jax
    _d = setup_inputs()
    print(jax.jit(kernel)(*tuple(_d.values())))

</pallas_src>

<mosaic_0001>
#map = affine_map<(d0, d1) -> (0, 0, 0)>
#map1 = affine_map<(d0, d1) -> (0, 0)>
module attributes {stable_mosaic.version = 14 : i64} {
  func.func @sc_call(%arg0: i32, %arg1: i32, %arg2: memref<1024x11x128xi32, #tpu.memory_space<hbm>>, %arg3: memref<100001x128xf32, #tpu.memory_space<hbm>>, %arg4: memref<512x128xf32, #tpu.memory_space<hbm>>, %arg5: memref<512x128xf32, #tpu.memory_space<hbm>>, %arg6: memref<1x128xf32, #tpu.memory_space<hbm>>, %arg7: memref<1024x129x128xf32, #tpu.memory_space<hbm>>, %arg8: memref<11x128xi32, #tpu.memory_space<vmem>>, %arg9: memref<11x128xi32, #tpu.memory_space<vmem>>, %arg10: memref<129x128xf32, #tpu.memory_space<vmem>>, %arg11: memref<129x128xf32, #tpu.memory_space<vmem>>, %arg12: memref<!tpu.dma_semaphore, #tpu.memory_space<semaphore_mem>>, %arg13: memref<!tpu.dma_semaphore, #tpu.memory_space<semaphore_mem>>, %arg14: memref<!tpu.dma_semaphore, #tpu.memory_space<semaphore_mem>>, %arg15: memref<!tpu.dma_semaphore, #tpu.memory_space<semaphore_mem>>, %arg16: memref<!tpu.dma_semaphore, #tpu.memory_space<semaphore_mem>>, %arg17: memref<!tpu.dma_semaphore, #tpu.memory_space<semaphore_mem>>) attributes {dimension_semantics = [#tpu.dimension_semantics<core_parallel>, #tpu.dimension_semantics<subcore_parallel>], iteration_bounds = array<i64: 2, 16>, scalar_prefetch = 0 : i64, scratch_operands = 10 : i64, tpu.core_type = #tpu.core_type<sc_vector_subcore>, window_params = [{transform_indices = #map}, {transform_indices = #map1}, {transform_indices = #map1}, {transform_indices = #map1}, {transform_indices = #map1}, {transform_indices = #map}]} {
    %mul3A = arith.constant 2 : i32
    %mul3A_0 = arith.muli %arg1, %mul3A : i32
    %add3A = arith.addi %mul3A_0, %arg0 : i32
    %mul3A_1 = arith.constant 32 : i32
    %mul3A_2 = arith.muli %add3A, %mul3A_1 : i32
    "tpu.region"() ({
      %run_scoped3A = tpu.sem_alloc : memref<!tpu.dma_semaphore, #tpu.memory_space<semaphore_mem>>
      %dma_start3A_26 = arith.constant 0 : i32
      %dma_start3A_27 = arith.constant 0 : i32
      %dma_start3A_28 = tpu.memref_slice %arg10[%dma_start3A_26, %dma_start3A_27] : memref<129x128xf32, #tpu.memory_space<vmem>> -> memref<1x128xf32, #tpu.memory_space<vmem>>
      %dma_start3A_29 = arith.constant 0 : i32
      %dma_start3A_30 = arith.constant 0 : i32
      %dma_start3A_31 = tpu.memref_slice %arg10[%dma_start3A_29, %dma_start3A_30] : memref<129x128xf32, #tpu.memory_space<vmem>> -> memref<1x128xf32, #tpu.memory_space<vmem>>
      tpu.enqueue_dma source(%arg6 : memref<1x128xf32, #tpu.memory_space<hbm>>) target(%dma_start3A_31 : memref<1x128xf32, #tpu.memory_space<vmem>>) target_semaphore(%run_scoped3A : memref<!tpu.dma_semaphore, #tpu.memory_space<semaphore_mem>>)
      %dma_wait3A_32 = arith.constant 0 : i32
      %dma_wait3A_33 = arith.constant 0 : i32
      %dma_wait3A_34 = tpu.memref_slice %arg10[%dma_wait3A_32, %dma_wait3A_33] : memref<129x128xf32, #tpu.memory_space<vmem>> -> memref<1x128xf32, #tpu.memory_space<vmem>>
      %dma_wait3A_35 = arith.constant 0 : i32
      %dma_wait3A_36 = arith.constant 0 : i32
      %dma_wait3A_37 = tpu.memref_slice %arg10[%dma_wait3A_35, %dma_wait3A_36] : memref<129x128xf32, #tpu.memory_space<vmem>> -> memref<1x128xf32, #tpu.memory_space<vmem>>
      tpu.wait_dma2 semaphore(%run_scoped3A : memref<!tpu.dma_semaphore, #tpu.memory_space<semaphore_mem>>) src(%arg6 : memref<1x128xf32, #tpu.memory_space<hbm>>) dst(%dma_wait3A_37 : memref<1x128xf32, #tpu.memory_space<vmem>>)
      tpu.yield
    }) : () -> ()
    "tpu.region"() ({
      %run_scoped3A = tpu.sem_alloc : memref<!tpu.dma_semaphore, #tpu.memory_space<semaphore_mem>>
      %dma_start3A_26 = arith.constant 0 : i32
      %dma_start3A_27 = arith.constant 0 : i32
      %dma_start3A_28 = tpu.memref_slice %arg11[%dma_start3A_26, %dma_start3A_27] : memref<129x128xf32, #tpu.memory_space<vmem>> -> memref<1x128xf32, #tpu.memory_space<vmem>>
      %dma_start3A_29 = arith.constant 0 : i32
      %dma_start3A_30 = arith.constant 0 : i32
      %dma_start3A_31 = tpu.memref_slice %arg11[%dma_start3A_29, %dma_start3A_30] : memref<129x128xf32, #tpu.memory_space<vmem>> -> memref<1x128xf32, #tpu.memory_space<vmem>>
      tpu.enqueue_dma source(%arg6 : memref<1x128xf32, #tpu.memory_space<hbm>>) target(%dma_start3A_31 : memref<1x128xf32, #tpu.memory_space<vmem>>) target_semaphore(%run_scoped3A : memref<!tpu.dma_semaphore, #tpu.memory_space<semaphore_mem>>)
      %dma_wait3A_32 = arith.constant 0 : i32
      %dma_wait3A_33 = arith.constant 0 : i32
      %dma_wait3A_34 = tpu.memref_slice %arg11[%dma_wait3A_32, %dma_wait3A_33] : memref<129x128xf32, #tpu.memory_space<vmem>> -> memref<1x128xf32, #tpu.memory_space<vmem>>
      %dma_wait3A_35 = arith.constant 0 : i32
      %dma_wait3A_36 = arith.constant 0 : i32
      %dma_wait3A_37 = tpu.memref_slice %arg11[%dma_wait3A_35, %dma_wait3A_36] : memref<129x128xf32, #tpu.memory_space<vmem>> -> memref<1x128xf32, #tpu.memory_space<vmem>>
      tpu.wait_dma2 semaphore(%run_scoped3A : memref<!tpu.dma_semaphore, #tpu.memory_space<semaphore_mem>>) src(%arg6 : memref<1x128xf32, #tpu.memory_space<hbm>>) dst(%dma_wait3A_37 : memref<1x128xf32, #tpu.memory_space<vmem>>)
      tpu.yield
    }) : () -> ()
    "tpu.region"() ({
      %run_scoped3A = tpu.sem_alloc : memref<!tpu.dma_semaphore, #tpu.memory_space<semaphore_mem>>
      %dma_start3A_26 = arith.constant 0 : i32
      %dma_start3A_27 = arith.constant 0 : i32
      %dma_start3A_28 = tpu.memref_slice %arg2[%mul3A_2, %dma_start3A_26, %dma_start3A_27] : memref<1024x11x128xi32, #tpu.memory_space<hbm>> -> memref<1x11x128xi32, #tpu.memory_space<hbm>>
      %dma_start3A_29 = tpu.memref_squeeze %dma_start3A_28 : memref<1x11x128xi32, #tpu.memory_space<hbm>> -> memref<11x128xi32, #tpu.memory_space<hbm>>
      %dma_start3A_30 = arith.constant 0 : i32
      %dma_start3A_31 = arith.constant 0 : i32
      %dma_start3A_32 = tpu.memref_slice %arg2[%mul3A_2, %dma_start3A_30, %dma_start3A_31] : memref<1024x11x128xi32, #tpu.memory_space<hbm>> -> memref<1x11x128xi32, #tpu.memory_space<hbm>>
      %dma_start3A_33 = tpu.memref_squeeze %dma_start3A_32 : memref<1x11x128xi32, #tpu.memory_space<hbm>> -> memref<11x128xi32, #tpu.memory_space<hbm>>
      tpu.enqueue_dma source(%dma_start3A_33 : memref<11x128xi32, #tpu.memory_space<hbm>>) target(%arg8 : memref<11x128xi32, #tpu.memory_space<vmem>>) target_semaphore(%run_scoped3A : memref<!tpu.dma_semaphore, #tpu.memory_space<semaphore_mem>>)
      %dma_wait3A_34 = arith.constant 0 : i32
      %dma_wait3A_35 = arith.constant 0 : i32
      %dma_wait3A_36 = tpu.memref_slice %arg2[%mul3A_2, %dma_wait3A_34, %dma_wait3A_35] : memref<1024x11x128xi32, #tpu.memory_space<hbm>> -> memref<1x11x128xi32, #tpu.memory_space<hbm>>
      %dma_wait3A_37 = tpu.memref_squeeze %dma_wait3A_36 : memref<1x11x128xi32, #tpu.memory_space<hbm>> -> memref<11x128xi32, #tpu.memory_space<hbm>>
      %dma_wait3A_38 = arith.constant 0 : i32
      %dma_wait3A_39 = arith.constant 0 : i32
      %dma_wait3A_40 = tpu.memref_slice %arg2[%mul3A_2, %dma_wait3A_38, %dma_wait3A_39] : memref<1024x11x128xi32, #tpu.memory_space<hbm>> -> memref<1x11x128xi32, #tpu.memory_space<hbm>>
      %dma_wait3A_41 = tpu.memref_squeeze %dma_wait3A_40 : memref<1x11x128xi32, #tpu.memory_space<hbm>> -> memref<11x128xi32, #tpu.memory_space<hbm>>
      tpu.wait_dma2 semaphore(%run_scoped3A : memref<!tpu.dma_semaphore, #tpu.memory_space<semaphore_mem>>) src(%dma_wait3A_41 : memref<11x128xi32, #tpu.memory_space<hbm>>) dst(%arg8 : memref<11x128xi32, #tpu.memory_space<vmem>>)
      tpu.yield
    }) : () -> ()
    %dma_start3A = arith.constant 0 : i32
    %dma_start3A_3 = arith.constant 1 : i32
    %dma_start3A_4 = arith.constant 0 : i32
    %dma_start3A_5 = tpu.memref_slice %arg10[%dma_start3A_3, %dma_start3A_4] : memref<129x128xf32, #tpu.memory_space<vmem>> -> memref<128x128xf32, #tpu.memory_space<vmem>>
    %dma_start3A_6 = arith.constant 0 : i32
    %dma_start3A_7 = tpu.memref_slice %arg8[%dma_start3A, %dma_start3A_6] : memref<11x128xi32, #tpu.memory_space<vmem>> -> memref<1x128xi32, #tpu.memory_space<vmem>>
    %dma_start3A_8 = tpu.memref_squeeze %dma_start3A_7 : memref<1x128xi32, #tpu.memory_space<vmem>> -> memref<128xi32, #tpu.memory_space<vmem>>
    %dma_start3A_9 = arith.constant 0 : i32
    %dma_start3A_10 = arith.constant 0 : i32
    %dma_start3A_11 = tpu.memref_slice %arg3[%dma_start3A_9, %dma_start3A_10] : memref<100001x128xf32, #tpu.memory_space<hbm>> -> memref<100001x128xf32, #tpu.memory_space<hbm>>
    tpu.enqueue_indirect_dma source(%dma_start3A_11 : memref<100001x128xf32, #tpu.memory_space<hbm>>) target(%dma_start3A_5 : memref<128x128xf32, #tpu.memory_space<vmem>>) offsets(%dma_start3A_8 : memref<128xi32, #tpu.memory_space<vmem>>) semaphore(%arg14 : memref<!tpu.dma_semaphore, #tpu.memory_space<semaphore_mem>>)
    %scan3A = arith.constant 0 : i32
    %scan3A_12 = arith.constant 0 : i32
    %scan3A_13 = arith.constant 16 : i32
    %scan3A_14 = arith.addi %scan3A_12, %scan3A_13 : i32
    %scan3A_15 = arith.constant 1 : i32
    scf.for %scan3A_26 = %scan3A_12 to %scan3A_14 step %scan3A_15  : i32 {
      %mul3A_27 = arith.constant 2 : i32
      %mul3A_28 = arith.muli %mul3A_27, %scan3A_26 : i32
      %add3A_29 = arith.addi %mul3A_2, %mul3A_28 : i32
      %add3A_30 = arith.constant 1 : i32
      %add3A_31 = arith.addi %add3A_29, %add3A_30 : i32
      %add3A_32 = arith.constant 2 : i32
      %add3A_33 = arith.addi %add3A_29, %add3A_32 : i32
      %min3A = arith.constant 1023 : i32
      %min3A_34 = arith.minsi %add3A_33, %min3A : i32
      %dma_start3A_35 = arith.constant 0 : i32
      %dma_start3A_36 = arith.constant 0 : i32
      %dma_start3A_37 = tpu.memref_slice %arg2[%add3A_31, %dma_start3A_35, %dma_start3A_36] : memref<1024x11x128xi32, #tpu.memory_space<hbm>> -> memref<1x11x128xi32, #tpu.memory_space<hbm>>
      %dma_start3A_38 = tpu.memref_squeeze %dma_start3A_37 : memref<1x11x128xi32, #tpu.memory_space<hbm>> -> memref<11x128xi32, #tpu.memory_space<hbm>>
      %dma_start3A_39 = arith.constant 0 : i32
      %dma_start3A_40 = arith.constant 0 : i32
      %dma_start3A_41 = tpu.memref_slice %arg2[%add3A_31, %dma_start3A_39, %dma_start3A_40] : memref<1024x11x128xi32, #tpu.memory_space<hbm>> -> memref<1x11x128xi32, #tpu.memory_space<hbm>>
      %dma_start3A_42 = tpu.memref_squeeze %dma_start3A_41 : memref<1x11x128xi32, #tpu.memory_space<hbm>> -> memref<11x128xi32, #tpu.memory_space<hbm>>
      tpu.enqueue_dma source(%dma_start3A_42 : memref<11x128xi32, #tpu.memory_space<hbm>>) target(%arg9 : memref<11x128xi32, #tpu.memory_space<vmem>>) target_semaphore(%arg13 : memref<!tpu.dma_semaphore, #tpu.memory_space<semaphore_mem>>)
      %dma_wait3A_43 = arith.constant 0 : i32
      %dma_wait3A_44 = arith.constant 1 : i32
      %dma_wait3A_45 = arith.constant 0 : i32
      %dma_wait3A_46 = tpu.memref_slice %arg10[%dma_wait3A_44, %dma_wait3A_45] : memref<129x128xf32, #tpu.memory_space<vmem>> -> memref<128x128xf32, #tpu.memory_space<vmem>>
      %dma_wait3A_47 = arith.constant 0 : i32
      %dma_wait3A_48 = tpu.memref_slice %arg8[%dma_wait3A_43, %dma_wait3A_47] : memref<11x128xi32, #tpu.memory_space<vmem>> -> memref<1x128xi32, #tpu.memory_space<vmem>>
      %dma_wait3A_49 = tpu.memref_squeeze %dma_wait3A_48 : memref<1x128xi32, #tpu.memory_space<vmem>> -> memref<128xi32, #tpu.memory_space<vmem>>
      %dma_wait3A_50 = arith.constant 0 : i32
      %dma_wait3A_51 = arith.constant 0 : i32
      %dma_wait3A_52 = tpu.memref_slice %arg3[%dma_wait3A_50, %dma_wait3A_51] : memref<100001x128xf32, #tpu.memory_space<hbm>> -> memref<100001x128xf32, #tpu.memory_space<hbm>>
      tpu.wait_indirect_dma semaphore(%arg14 : memref<!tpu.dma_semaphore, #tpu.memory_space<semaphore_mem>>) src(%dma_wait3A_52 : memref<100001x128xf32, #tpu.memory_space<hbm>>) dst(%dma_wait3A_46 : memref<128x128xf32, #tpu.memory_space<vmem>>)
      %dma_start3A_53 = arith.constant 1 : i32
      %dma_start3A_54 = arith.constant 1 : i32
      %dma_start3A_55 = arith.constant 0 : i32
      %dma_start3A_56 = tpu.memref_slice %arg10[%dma_start3A_54, %dma_start3A_55] : memref<129x128xf32, #tpu.memory_space<vmem>> -> memref<128x128xf32, #tpu.memory_space<vmem>>
      %dma_start3A_57 = arith.constant 0 : i32
      %dma_start3A_58 = tpu.memref_slice %arg8[%dma_start3A_53, %dma_start3A_57] : memref<11x128xi32, #tpu.memory_space<vmem>> -> memref<1x128xi32, #tpu.memory_space<vmem>>
      %dma_start3A_59 = tpu.memref_squeeze %dma_start3A_58 : memref<1x128xi32, #tpu.memory_space<vmem>> -> memref<128xi32, #tpu.memory_space<vmem>>
      %dma_start3A_60 = arith.constant 0 : i32
      %dma_start3A_61 = arith.constant 0 : i32
      %dma_start3A_62 = tpu.memref_slice %arg3[%dma_start3A_60, %dma_start3A_61] : memref<100001x128xf32, #tpu.memory_space<hbm>> -> memref<100001x128xf32, #tpu.memory_space<hbm>>
      tpu.enqueue_indirect_dma source(%dma_start3A_62 : memref<100001x128xf32, #tpu.memory_space<hbm>>) target(%dma_start3A_56 : memref<128x128xf32, #tpu.memory_space<vmem>>) offsets(%dma_start3A_59 : memref<128xi32, #tpu.memory_space<vmem>>) semaphore(%arg16 : memref<!tpu.dma_semaphore, #tpu.memory_space<semaphore_mem>>) {add = true}
      %dma_start3A_63 = arith.constant 2 : i32
      %dma_start3A_64 = arith.constant 1 : i32
      %dma_start3A_65 = arith.constant 0 : i32
      %dma_start3A_66 = tpu.memref_slice %arg10[%dma_start3A_64, %dma_start3A_65] : memref<129x128xf32, #tpu.memory_space<vmem>> -> memref<128x128xf32, #tpu.memory_space<vmem>>
      %dma_start3A_67 = arith.constant 0 : i32
      %dma_start3A_68 = tpu.memref_slice %arg8[%dma_start3A_63, %dma_start3A_67] : memref<11x128xi32, #tpu.memory_space<vmem>> -> memref<1x128xi32, #tpu.memory_space<vmem>>
      %dma_start3A_69 = tpu.memref_squeeze %dma_start3A_68 : memref<1x128xi32, #tpu.memory_space<vmem>> -> memref<128xi32, #tpu.memory_space<vmem>>
      %dma_start3A_70 = arith.constant 0 : i32
      %dma_start3A_71 = arith.constant 0 : i32
      %dma_start3A_72 = tpu.memref_slice %arg3[%dma_start3A_70, %dma_start3A_71] : memref<100001x128xf32, #tpu.memory_space<hbm>> -> memref<100001x128xf32, #tpu.memory_space<hbm>>
      tpu.enqueue_indirect_dma source(%dma_start3A_72 : memref<100001x128xf32, #tpu.memory_space<hbm>>) target(%dma_start3A_66 : memref<128x128xf32, #tpu.memory_space<vmem>>) offsets(%dma_start3A_69 : memref<128xi32, #tpu.memory_space<vmem>>) semaphore(%arg16 : memref<!tpu.dma_semaphore, #tpu.memory_space<semaphore_mem>>) {add = true}
      %dma_start3A_73 = arith.constant 3 : i32
      %dma_start3A_74 = arith.constant 1 : i32
      %dma_start3A_75 = arith.constant 0 : i32
      %dma_start3A_76 = tpu.memref_slice %arg10[%dma_start3A_74, %dma_start3A_75] : memref<129x128xf32, #tpu.memory_space<vmem>> -> memref<128x128xf32, #tpu.memory_space<vmem>>
      %dma_start3A_77 = arith.constant 0 : i32
      %dma_start3A_78 = tpu.memref_slice %arg8[%dma_start3A_73, %dma_start3A_77] : memref<11x128xi32, #tpu.memory_space<vmem>> -> memref<1x128xi32, #tpu.memory_space<vmem>>
      %dma_start3A_79 = tpu.memref_squeeze %dma_start3A_78 : memref<1x128xi32, #tpu.memory_space<vmem>> -> memref<128xi32, #tpu.memory_space<vmem>>
      %dma_start3A_80 = arith.constant 0 : i32
      %dma_start3A_81 = arith.constant 0 : i32
      %dma_start3A_82 = tpu.memref_slice %arg3[%dma_start3A_80, %dma_start3A_81] : memref<100001x128xf32, #tpu.memory_space<hbm>> -> memref<100001x128xf32, #tpu.memory_space<hbm>>
      tpu.enqueue_indirect_dma source(%dma_start3A_82 : memref<100001x128xf32, #tpu.memory_space<hbm>>) target(%dma_start3A_76 : memref<128x128xf32, #tpu.memory_space<vmem>>) offsets(%dma_start3A_79 : memref<128xi32, #tpu.memory_space<vmem>>) semaphore(%arg16 : memref<!tpu.dma_semaphore, #tpu.memory_space<semaphore_mem>>) {add = true}
      %dma_start3A_83 = arith.constant 4 : i32
      %dma_start3A_84 = arith.constant 1 : i32
      %dma_start3A_85 = arith.constant 0 : i32
      %dma_start3A_86 = tpu.memref_slice %arg10[%dma_start3A_84, %dma_start3A_85] : memref<129x128xf32, #tpu.memory_space<vmem>> -> memref<128x128xf32, #tpu.memory_space<vmem>>
      %dma_start3A_87 = arith.constant 0 : i32
      %dma_start3A_88 = tpu.memref_slice %arg8[%dma_start3A_83, %dma_start3A_87] : memref<11x128xi32, #tpu.memory_space<vmem>> -> memref<1x128xi32, #tpu.memory_space<vmem>>
      %dma_start3A_89 = tpu.memref_squeeze %dma_start3A_88 : memref<1x128xi32, #tpu.memory_space<vmem>> -> memref<128xi32, #tpu.memory_space<vmem>>
      %dma_start3A_90 = arith.constant 0 : i32
      %dma_start3A_91 = arith.constant 0 : i32
      %dma_start3A_92 = tpu.memref_slice %arg3[%dma_start3A_90, %dma_start3A_91] : memref<100001x128xf32, #tpu.memory_space<hbm>> -> memref<100001x128xf32, #tpu.memory_space<hbm>>
      tpu.enqueue_indirect_dma source(%dma_start3A_92 : memref<100001x128xf32, #tpu.memory_space<hbm>>) target(%dma_start3A_86 : memref<128x128xf32, #tpu.memory_space<vmem>>) offsets(%dma_start3A_89 : memref<128xi32, #tpu.memory_space<vmem>>) semaphore(%arg16 : memref<!tpu.dma_semaphore, #tpu.memory_space<semaphore_mem>>) {add = true}
      %dma_start3A_93 = arith.constant 5 : i32
      %dma_start3A_94 = arith.constant 1 : i32
      %dma_start3A_95 = arith.constant 0 : i32
      %dma_start3A_96 = tpu.memref_slice %arg10[%dma_start3A_94, %dma_start3A_95] : memref<129x128xf32, #tpu.memory_space<vmem>> -> memref<128x128xf32, #tpu.memory_space<vmem>>
      %dma_start3A_97 = arith.constant 0 : i32
      %dma_start3A_98 = tpu.memref_slice %arg8[%dma_start3A_93, %dma_start3A_97] : memref<11x128xi32, #tpu.memory_space<vmem>> -> memref<1x128xi32, #tpu.memory_space<vmem>>
      %dma_start3A_99 = tpu.memref_squeeze %dma_start3A_98 : memref<1x128xi32, #tpu.memory_space<vmem>> -> memref<128xi32, #tpu.memory_space<vmem>>
      %dma_start3A_100 = arith.constant 0 : i32
      %dma_start3A_101 = arith.constant 0 : i32
      %dma_start3A_102 = tpu.memref_slice %arg3[%dma_start3A_100, %dma_start3A_101] : memref<100001x128xf32, #tpu.memory_space<hbm>> -> memref<100001x128xf32, #tpu.memory_space<hbm>>
      tpu.enqueue_indirect_dma source(%dma_start3A_102 : memref<100001x128xf32, #tpu.memory_space<hbm>>) target(%dma_start3A_96 : memref<128x128xf32, #tpu.memory_space<vmem>>) offsets(%dma_start3A_99 : memref<128xi32, #tpu.memory_space<vmem>>) semaphore(%arg16 : memref<!tpu.dma_semaphore, #tpu.memory_space<semaphore_mem>>) {add = true}
      %dma_start3A_103 = arith.constant 6 : i32
      %dma_start3A_104 = arith.constant 1 : i32
      %dma_start3A_105 = arith.constant 0 : i32
      %dma_start3A_106 = tpu.memref_slice %arg10[%dma_start3A_104, %dma_start3A_105] : memref<129x128xf32, #tpu.memory_space<vmem>> -> memref<128x128xf32, #tpu.memory_space<vmem>>
      %dma_start3A_107 = arith.constant 0 : i32
      %dma_start3A_108 = tpu.memref_slice %arg8[%dma_start3A_103, %dma_start3A_107] : memref<11x128xi32, #tpu.memory_space<vmem>> -> memref<1x128xi32, #tpu.memory_space<vmem>>
      %dma_start3A_109 = tpu.memref_squeeze %dma_start3A_108 : memref<1x128xi32, #tpu.memory_space<vmem>> -> memref<128xi32, #tpu.memory_space<vmem>>
      %dma_start3A_110 = arith.constant 0 : i32
      %dma_start3A_111 = arith.constant 0 : i32
      %dma_start3A_112 = tpu.memref_slice %arg3[%dma_start3A_110, %dma_start3A_111] : memref<100001x128xf32, #tpu.memory_space<hbm>> -> memref<100001x128xf32, #tpu.memory_space<hbm>>
      tpu.enqueue_indirect_dma source(%dma_start3A_112 : memref<100001x128xf32, #tpu.memory_space<hbm>>) target(%dma_start3A_106 : memref<128x128xf32, #tpu.memory_space<vmem>>) offsets(%dma_start3A_109 : memref<128xi32, #tpu.memory_space<vmem>>) semaphore(%arg16 : memref<!tpu.dma_semaphore, #tpu.memory_space<semaphore_mem>>) {add = true}
      %dma_start3A_113 = arith.constant 7 : i32
      %dma_start3A_114 = arith.constant 1 : i32
      %dma_start3A_115 = arith.constant 0 : i32
      %dma_start3A_116 = tpu.memref_slice %arg10[%dma_start3A_114, %dma_start3A_115] : memref<129x128xf32, #tpu.memory_space<vmem>> -> memref<128x128xf32, #tpu.memory_space<vmem>>
      %dma_start3A_117 = arith.constant 0 : i32
      %dma_start3A_118 = tpu.memref_slice %arg8[%dma_start3A_113, %dma_start3A_117] : memref<11x128xi32, #tpu.memory_space<vmem>> -> memref<1x128xi32, #tpu.memory_space<vmem>>
      %dma_start3A_119 = tpu.memref_squeeze %dma_start3A_118 : memref<1x128xi32, #tpu.memory_space<vmem>> -> memref<128xi32, #tpu.memory_space<vmem>>
      %dma_start3A_120 = arith.constant 0 : i32
      %dma_start3A_121 = arith.constant 0 : i32
      %dma_start3A_122 = tpu.memref_slice %arg3[%dma_start3A_120, %dma_start3A_121] : memref<100001x128xf32, #tpu.memory_space<hbm>> -> memref<100001x128xf32, #tpu.memory_space<hbm>>
      tpu.enqueue_indirect_dma source(%dma_start3A_122 : memref<100001x128xf32, #tpu.memory_space<hbm>>) target(%dma_start3A_116 : memref<128x128xf32, #tpu.memory_space<vmem>>) offsets(%dma_start3A_119 : memref<128xi32, #tpu.memory_space<vmem>>) semaphore(%arg16 : memref<!tpu.dma_semaphore, #tpu.memory_space<semaphore_mem>>) {add = true}
      %dma_start3A_123 = arith.constant 8 : i32
      %dma_start3A_124 = arith.constant 1 : i32
      %dma_start3A_125 = arith.constant 0 : i32
      %dma_start3A_126 = tpu.memref_slice %arg10[%dma_start3A_124, %dma_start3A_125] : memref<129x128xf32, #tpu.memory_space<vmem>> -> memref<128x128xf32, #tpu.memory_space<vmem>>
      %dma_start3A_127 = arith.constant 0 : i32
      %dma_start3A_128 = tpu.memref_slice %arg8[%dma_start3A_123, %dma_start3A_127] : memref<11x128xi32, #tpu.memory_space<vmem>> -> memref<1x128xi32, #tpu.memory_space<vmem>>
      %dma_start3A_129 = tpu.memref_squeeze %dma_start3A_128 : memref<1x128xi32, #tpu.memory_space<vmem>> -> memref<128xi32, #tpu.memory_space<vmem>>
      %dma_start3A_130 = arith.constant 0 : i32
      %dma_start3A_131 = arith.constant 0 : i32
      %dma_start3A_132 = tpu.memref_slice %arg3[%dma_start3A_130, %dma_start3A_131] : memref<100001x128xf32, #tpu.memory_space<hbm>> -> memref<100001x128xf32, #tpu.memory_space<hbm>>
      tpu.enqueue_indirect_dma source(%dma_start3A_132 : memref<100001x128xf32, #tpu.memory_space<hbm>>) target(%dma_start3A_126 : memref<128x128xf32, #tpu.memory_space<vmem>>) offsets(%dma_start3A_129 : memref<128xi32, #tpu.memory_space<vmem>>) semaphore(%arg16 : memref<!tpu.dma_semaphore, #tpu.memory_space<semaphore_mem>>) {add = true}
      %dma_start3A_133 = arith.constant 9 : i32
      %dma_start3A_134 = arith.constant 1 : i32
      %dma_start3A_135 = arith.constant 0 : i32
      %dma_start3A_136 = tpu.memref_slice %arg10[%dma_start3A_134, %dma_start3A_135] : memref<129x128xf32, #tpu.memory_space<vmem>> -> memref<128x128xf32, #tpu.memory_space<vmem>>
      %dma_start3A_137 = arith.constant 0 : i32
      %dma_start3A_138 = tpu.memref_slice %arg8[%dma_start3A_133, %dma_start3A_137] : memref<11x128xi32, #tpu.memory_space<vmem>> -> memref<1x128xi32, #tpu.memory_space<vmem>>
      %dma_start3A_139 = tpu.memref_squeeze %dma_start3A_138 : memref<1x128xi32, #tpu.memory_space<vmem>> -> memref<128xi32, #tpu.memory_space<vmem>>
      %dma_start3A_140 = arith.constant 0 : i32
      %dma_start3A_141 = arith.constant 0 : i32
      %dma_start3A_142 = tpu.memref_slice %arg4[%dma_start3A_140, %dma_start3A_141] : memref<512x128xf32, #tpu.memory_space<hbm>> -> memref<512x128xf32, #tpu.memory_space<hbm>>
      tpu.enqueue_indirect_dma source(%dma_start3A_142 : memref<512x128xf32, #tpu.memory_space<hbm>>) target(%dma_start3A_136 : memref<128x128xf32, #tpu.memory_space<vmem>>) offsets(%dma_start3A_139 : memref<128xi32, #tpu.memory_space<vmem>>) semaphore(%arg16 : memref<!tpu.dma_semaphore, #tpu.memory_space<semaphore_mem>>) {add = true}
      %dma_start3A_143 = arith.constant 10 : i32
      %dma_start3A_144 = arith.constant 1 : i32
      %dma_start3A_145 = arith.constant 0 : i32
      %dma_start3A_146 = tpu.memref_slice %arg10[%dma_start3A_144, %dma_start3A_145] : memref<129x128xf32, #tpu.memory_space<vmem>> -> memref<128x128xf32, #tpu.memory_space<vmem>>
      %dma_start3A_147 = arith.constant 0 : i32
      %dma_start3A_148 = tpu.memref_slice %arg8[%dma_start3A_143, %dma_start3A_147] : memref<11x128xi32, #tpu.memory_space<vmem>> -> memref<1x128xi32, #tpu.memory_space<vmem>>
      %dma_start3A_149 = tpu.memref_squeeze %dma_start3A_148 : memref<1x128xi32, #tpu.memory_space<vmem>> -> memref<128xi32, #tpu.memory_space<vmem>>
      %dma_start3A_150 = arith.constant 0 : i32
      %dma_start3A_151 = arith.constant 0 : i32
      %dma_start3A_152 = tpu.memref_slice %arg5[%dma_start3A_150, %dma_start3A_151] : memref<512x128xf32, #tpu.memory_space<hbm>> -> memref<512x128xf32, #tpu.memory_space<hbm>>
      tpu.enqueue_indirect_dma source(%dma_start3A_152 : memref<512x128xf32, #tpu.memory_space<hbm>>) target(%dma_start3A_146 : memref<128x128xf32, #tpu.memory_space<vmem>>) offsets(%dma_start3A_149 : memref<128xi32, #tpu.memory_space<vmem>>) semaphore(%arg16 : memref<!tpu.dma_semaphore, #tpu.memory_space<semaphore_mem>>) {add = true}
      %dma_wait3A_153 = arith.constant 0 : i32
      %dma_wait3A_154 = arith.constant 0 : i32
      %dma_wait3A_155 = tpu.memref_slice %arg2[%add3A_31, %dma_wait3A_153, %dma_wait3A_154] : memref<1024x11x128xi32, #tpu.memory_space<hbm>> -> memref<1x11x128xi32, #tpu.memory_space<hbm>>
      %dma_wait3A_156 = tpu.memref_squeeze %dma_wait3A_155 : memref<1x11x128xi32, #tpu.memory_space<hbm>> -> memref<11x128xi32, #tpu.memory_space<hbm>>
      %dma_wait3A_157 = arith.constant 0 : i32
      %dma_wait3A_158 = arith.constant 0 : i32
      %dma_wait3A_159 = tpu.memref_slice %arg2[%add3A_31, %dma_wait3A_157, %dma_wait3A_158] : memref<1024x11x128xi32, #tpu.memory_space<hbm>> -> memref<1x11x128xi32, #tpu.memory_space<hbm>>
      %dma_wait3A_160 = tpu.memref_squeeze %dma_wait3A_159 : memref<1x11x128xi32, #tpu.memory_space<hbm>> -> memref<11x128xi32, #tpu.memory_space<hbm>>
      tpu.wait_dma2 semaphore(%arg13 : memref<!tpu.dma_semaphore, #tpu.memory_space<semaphore_mem>>) src(%dma_wait3A_160 : memref<11x128xi32, #tpu.memory_space<hbm>>) dst(%arg9 : memref<11x128xi32, #tpu.memory_space<vmem>>)
      %dma_start3A_161 = arith.constant 0 : i32
      %dma_start3A_162 = arith.constant 1 : i32
      %dma_start3A_163 = arith.constant 0 : i32
      %dma_start3A_164 = tpu.memref_slice %arg11[%dma_start3A_162, %dma_start3A_163] : memref<129x128xf32, #tpu.memory_space<vmem>> -> memref<128x128xf32, #tpu.memory_space<vmem>>
      %dma_start3A_165 = arith.constant 0 : i32
      %dma_start3A_166 = tpu.memref_slice %arg9[%dma_start3A_161, %dma_start3A_165] : memref<11x128xi32, #tpu.memory_space<vmem>> -> memref<1x128xi32, #tpu.memory_space<vmem>>
      %dma_start3A_167 = tpu.memref_squeeze %dma_start3A_166 : memref<1x128xi32, #tpu.memory_space<vmem>> -> memref<128xi32, #tpu.memory_space<vmem>>
      %dma_start3A_168 = arith.constant 0 : i32
      %dma_start3A_169 = arith.constant 0 : i32
      %dma_start3A_170 = tpu.memref_slice %arg3[%dma_start3A_168, %dma_start3A_169] : memref<100001x128xf32, #tpu.memory_space<hbm>> -> memref<100001x128xf32, #tpu.memory_space<hbm>>
      tpu.enqueue_indirect_dma source(%dma_start3A_170 : memref<100001x128xf32, #tpu.memory_space<hbm>>) target(%dma_start3A_164 : memref<128x128xf32, #tpu.memory_space<vmem>>) offsets(%dma_start3A_167 : memref<128xi32, #tpu.memory_space<vmem>>) semaphore(%arg15 : memref<!tpu.dma_semaphore, #tpu.memory_space<semaphore_mem>>)
      %dma_wait3A_171 = arith.constant 0 : i32
      %dma_wait3A_172 = arith.constant 1 : i32
      %dma_wait3A_173 = arith.constant 0 : i32
      %dma_wait3A_174 = tpu.memref_slice %arg11[%dma_wait3A_172, %dma_wait3A_173] : memref<129x128xf32, #tpu.memory_space<vmem>> -> memref<128x128xf32, #tpu.memory_space<vmem>>
      %dma_wait3A_175 = arith.constant 0 : i32
      %dma_wait3A_176 = tpu.memref_slice %arg9[%dma_wait3A_171, %dma_wait3A_175] : memref<11x128xi32, #tpu.memory_space<vmem>> -> memref<1x128xi32, #tpu.memory_space<vmem>>
      %dma_wait3A_177 = tpu.memref_squeeze %dma_wait3A_176 : memref<1x128xi32, #tpu.memory_space<vmem>> -> memref<128xi32, #tpu.memory_space<vmem>>
      %dma_wait3A_178 = arith.constant 0 : i32
      %dma_wait3A_179 = arith.constant 0 : i32
      %dma_wait3A_180 = tpu.memref_slice %arg3[%dma_wait3A_178, %dma_wait3A_179] : memref<100001x128xf32, #tpu.memory_space<hbm>> -> memref<100001x128xf32, #tpu.memory_space<hbm>>
      tpu.wait_indirect_dma semaphore(%arg15 : memref<!tpu.dma_semaphore, #tpu.memory_space<semaphore_mem>>) src(%dma_wait3A_180 : memref<100001x128xf32, #tpu.memory_space<hbm>>) dst(%dma_wait3A_174 : memref<128x128xf32, #tpu.memory_space<vmem>>)
      %dma_start3A_181 = arith.constant 1 : i32
      %dma_start3A_182 = arith.constant 1 : i32
      %dma_start3A_183 = arith.constant 0 : i32
      %dma_start3A_184 = tpu.memref_slice %arg11[%dma_start3A_182, %dma_start3A_183] : memref<129x128xf32, #tpu.memory_space<vmem>> -> memref<128x128xf32, #tpu.memory_space<vmem>>
      %dma_start3A_185 = arith.constant 0 : i32
      %dma_start3A_186 = tpu.memref_slice %arg9[%dma_start3A_181, %dma_start3A_185] : memref<11x128xi32, #tpu.memory_space<vmem>> -> memref<1x128xi32, #tpu.memory_space<vmem>>
      %dma_start3A_187 = tpu.memref_squeeze %dma_start3A_186 : memref<1x128xi32, #tpu.memory_space<vmem>> -> memref<128xi32, #tpu.memory_space<vmem>>
      %dma_start3A_188 = arith.constant 0 : i32
      %dma_start3A_189 = arith.constant 0 : i32
      %dma_start3A_190 = tpu.memref_slice %arg3[%dma_start3A_188, %dma_start3A_189] : memref<100001x128xf32, #tpu.memory_space<hbm>> -> memref<100001x128xf32, #tpu.memory_space<hbm>>
      tpu.enqueue_indirect_dma source(%dma_start3A_190 : memref<100001x128xf32, #tpu.memory_space<hbm>>) target(%dma_start3A_184 : memref<128x128xf32, #tpu.memory_space<vmem>>) offsets(%dma_start3A_187 : memref<128xi32, #tpu.memory_space<vmem>>) semaphore(%arg17 : memref<!tpu.dma_semaphore, #tpu.memory_space<semaphore_mem>>) {add = true}
      %dma_start3A_191 = arith.constant 2 : i32
      %dma_start3A_192 = arith.constant 1 : i32
      %dma_start3A_193 = arith.constant 0 : i32
      %dma_start3A_194 = tpu.memref_slice %arg11[%dma_start3A_192, %dma_start3A_193] : memref<129x128xf32, #tpu.memory_space<vmem>> -> memref<128x128xf32, #tpu.memory_space<vmem>>
      %dma_start3A_195 = arith.constant 0 : i32
      %dma_start3A_196 = tpu.memref_slice %arg9[%dma_start3A_191, %dma_start3A_195] : memref<11x128xi32, #tpu.memory_space<vmem>> -> memref<1x128xi32, #tpu.memory_space<vmem>>
      %dma_start3A_197 = tpu.memref_squeeze %dma_start3A_196 : memref<1x128xi32, #tpu.memory_space<vmem>> -> memref<128xi32, #tpu.memory_space<vmem>>
      %dma_start3A_198 = arith.constant 0 : i32
      %dma_start3A_199 = arith.constant 0 : i32
      %dma_start3A_200 = tpu.memref_slice %arg3[%dma_start3A_198, %dma_start3A_199] : memref<100001x128xf32, #tpu.memory_space<hbm>> -> memref<100001x128xf32, #tpu.memory_space<hbm>>
      tpu.enqueue_indirect_dma source(%dma_start3A_200 : memref<100001x128xf32, #tpu.memory_space<hbm>>) target(%dma_start3A_194 : memref<128x128xf32, #tpu.memory_space<vmem>>) offsets(%dma_start3A_197 : memref<128xi32, #tpu.memory_space<vmem>>) semaphore(%arg17 : memref<!tpu.dma_semaphore, #tpu.memory_space<semaphore_mem>>) {add = true}
      %dma_start3A_201 = arith.constant 3 : i32
      %dma_start3A_202 = arith.constant 1 : i32
      %dma_start3A_203 = arith.constant 0 : i32
      %dma_start3A_204 = tpu.memref_slice %arg11[%dma_start3A_202, %dma_start3A_203] : memref<129x128xf32, #tpu.memory_space<vmem>> -> memref<128x128xf32, #tpu.memory_space<vmem>>
      %dma_start3A_205 = arith.constant 0 : i32
      %dma_start3A_206 = tpu.memref_slice %arg9[%dma_start3A_201, %dma_start3A_205] : memref<11x128xi32, #tpu.memory_space<vmem>> -> memref<1x128xi32, #tpu.memory_space<vmem>>
      %dma_start3A_207 = tpu.memref_squeeze %dma_start3A_206 : memref<1x128xi32, #tpu.memory_space<vmem>> -> memref<128xi32, #tpu.memory_space<vmem>>
      %dma_start3A_208 = arith.constant 0 : i32
      %dma_start3A_209 = arith.constant 0 : i32
      %dma_start3A_210 = tpu.memref_slice %arg3[%dma_start3A_208, %dma_start3A_209] : memref<100001x128xf32, #tpu.memory_space<hbm>> -> memref<100001x128xf32, #tpu.memory_space<hbm>>
      tpu.enqueue_indirect_dma source(%dma_start3A_210 : memref<100001x128xf32, #tpu.memory_space<hbm>>) target(%dma_start3A_204 : memref<128x128xf32, #tpu.memory_space<vmem>>) offsets(%dma_start3A_207 : memref<128xi32, #tpu.memory_space<vmem>>) semaphore(%arg17 : memref<!tpu.dma_semaphore, #tpu.memory_space<semaphore_mem>>) {add = true}
      %dma_start3A_211 = arith.constant 4 : i32
      %dma_start3A_212 = arith.constant 1 : i32
      %dma_start3A_213 = arith.constant 0 : i32
      %dma_start3A_214 = tpu.memref_slice %arg11[%dma_start3A_212, %dma_start3A_213] : memref<129x128xf32, #tpu.memory_space<vmem>> -> memref<128x128xf32, #tpu.memory_space<vmem>>
      %dma_start3A_215 = arith.constant 0 : i32
      %dma_start3A_216 = tpu.memref_slice %arg9[%dma_start3A_211, %dma_start3A_215] : memref<11x128xi32, #tpu.memory_space<vmem>> -> memref<1x128xi32, #tpu.memory_space<vmem>>
      %dma_start3A_217 = tpu.memref_squeeze %dma_start3A_216 : memref<1x128xi32, #tpu.memory_space<vmem>> -> memref<128xi32, #tpu.memory_space<vmem>>
      %dma_start3A_218 = arith.constant 0 : i32
      %dma_start3A_219 = arith.constant 0 : i32
      %dma_start3A_220 = tpu.memref_slice %arg3[%dma_start3A_218, %dma_start3A_219] : memref<100001x128xf32, #tpu.memory_space<hbm>> -> memref<100001x128xf32, #tpu.memory_space<hbm>>
      tpu.enqueue_indirect_dma source(%dma_start3A_220 : memref<100001x128xf32, #tpu.memory_space<hbm>>) target(%dma_start3A_214 : memref<128x128xf32, #tpu.memory_space<vmem>>) offsets(%dma_start3A_217 : memref<128xi32, #tpu.memory_space<vmem>>) semaphore(%arg17 : memref<!tpu.dma_semaphore, #tpu.memory_space<semaphore_mem>>) {add = true}
      %dma_start3A_221 = arith.constant 5 : i32
      %dma_start3A_222 = arith.constant 1 : i32
      %dma_start3A_223 = arith.constant 0 : i32
      %dma_start3A_224 = tpu.memref_slice %arg11[%dma_start3A_222, %dma_start3A_223] : memref<129x128xf32, #tpu.memory_space<vmem>> -> memref<128x128xf32, #tpu.memory_space<vmem>>
      %dma_start3A_225 = arith.constant 0 : i32
      %dma_start3A_226 = tpu.memref_slice %arg9[%dma_start3A_221, %dma_start3A_225] : memref<11x128xi32, #tpu.memory_space<vmem>> -> memref<1x128xi32, #tpu.memory_space<vmem>>
      %dma_start3A_227 = tpu.memref_squeeze %dma_start3A_226 : memref<1x128xi32, #tpu.memory_space<vmem>> -> memref<128xi32, #tpu.memory_space<vmem>>
      %dma_start3A_228 = arith.constant 0 : i32
      %dma_start3A_229 = arith.constant 0 : i32
      %dma_start3A_230 = tpu.memref_slice %arg3[%dma_start3A_228, %dma_start3A_229] : memref<100001x128xf32, #tpu.memory_space<hbm>> -> memref<100001x128xf32, #tpu.memory_space<hbm>>
      tpu.enqueue_indirect_dma source(%dma_start3A_230 : memref<100001x128xf32, #tpu.memory_space<hbm>>) target(%dma_start3A_224 : memref<128x128xf32, #tpu.memory_space<vmem>>) offsets(%dma_start3A_227 : memref<128xi32, #tpu.memory_space<vmem>>) semaphore(%arg17 : memref<!tpu.dma_semaphore, #tpu.memory_space<semaphore_mem>>) {add = true}
      %dma_start3A_231 = arith.constant 6 : i32
      %dma_start3A_232 = arith.constant 1 : i32
      %dma_start3A_233 = arith.constant 0 : i32
      %dma_start3A_234 = tpu.memref_slice %arg11[%dma_start3A_232, %dma_start3A_233] : memref<129x128xf32, #tpu.memory_space<vmem>> -> memref<128x128xf32, #tpu.memory_space<vmem>>
      %dma_start3A_235 = arith.constant 0 : i32
      %dma_start3A_236 = tpu.memref_slice %arg9[%dma_start3A_231, %dma_start3A_235] : memref<11x128xi32, #tpu.memory_space<vmem>> -> memref<1x128xi32, #tpu.memory_space<vmem>>
      %dma_start3A_237 = tpu.memref_squeeze %dma_start3A_236 : memref<1x128xi32, #tpu.memory_space<vmem>> -> memref<128xi32, #tpu.memory_space<vmem>>
      %dma_start3A_238 = arith.constant 0 : i32
      %dma_start3A_239 = arith.constant 0 : i32
      %dma_start3A_240 = tpu.memref_slice %arg3[%dma_start3A_238, %dma_start3A_239] : memref<100001x128xf32, #tpu.memory_space<hbm>> -> memref<100001x128xf32, #tpu.memory_space<hbm>>
      tpu.enqueue_indirect_dma source(%dma_start3A_240 : memref<100001x128xf32, #tpu.memory_space<hbm>>) target(%dma_start3A_234 : memref<128x128xf32, #tpu.memory_space<vmem>>) offsets(%dma_start3A_237 : memref<128xi32, #tpu.memory_space<vmem>>) semaphore(%arg17 : memref<!tpu.dma_semaphore, #tpu.memory_space<semaphore_mem>>) {add = true}
      %dma_start3A_241 = arith.constant 7 : i32
      %dma_start3A_242 = arith.constant 1 : i32
      %dma_start3A_243 = arith.constant 0 : i32
      %dma_start3A_244 = tpu.memref_slice %arg11[%dma_start3A_242, %dma_start3A_243] : memref<129x128xf32, #tpu.memory_space<vmem>> -> memref<128x128xf32, #tpu.memory_space<vmem>>
      %dma_start3A_245 = arith.constant 0 : i32
      %dma_start3A_246 = tpu.memref_slice %arg9[%dma_start3A_241, %dma_start3A_245] : memref<11x128xi32, #tpu.memory_space<vmem>> -> memref<1x128xi32, #tpu.memory_space<vmem>>
      %dma_start3A_247 = tpu.memref_squeeze %dma_start3A_246 : memref<1x128xi32, #tpu.memory_space<vmem>> -> memref<128xi32, #tpu.memory_space<vmem>>
      %dma_start3A_248 = arith.constant 0 : i32
      %dma_start3A_249 = arith.constant 0 : i32
      %dma_start3A_250 = tpu.memref_slice %arg3[%dma_start3A_248, %dma_start3A_249] : memref<100001x128xf32, #tpu.memory_space<hbm>> -> memref<100001x128xf32, #tpu.memory_space<hbm>>
      tpu.enqueue_indirect_dma source(%dma_start3A_250 : memref<100001x128xf32, #tpu.memory_space<hbm>>) target(%dma_start3A_244 : memref<128x128xf32, #tpu.memory_space<vmem>>) offsets(%dma_start3A_247 : memref<128xi32, #tpu.memory_space<vmem>>) semaphore(%arg17 : memref<!tpu.dma_semaphore, #tpu.memory_space<semaphore_mem>>) {add = true}
      %dma_start3A_251 = arith.constant 8 : i32
      %dma_start3A_252 = arith.constant 1 : i32
      %dma_start3A_253 = arith.constant 0 : i32
      %dma_start3A_254 = tpu.memref_slice %arg11[%dma_start3A_252, %dma_start3A_253] : memref<129x128xf32, #tpu.memory_space<vmem>> -> memref<128x128xf32, #tpu.memory_space<vmem>>
      %dma_start3A_255 = arith.constant 0 : i32
      %dma_start3A_256 = tpu.memref_slice %arg9[%dma_start3A_251, %dma_start3A_255] : memref<11x128xi32, #tpu.memory_space<vmem>> -> memref<1x128xi32, #tpu.memory_space<vmem>>
      %dma_start3A_257 = tpu.memref_squeeze %dma_start3A_256 : memref<1x128xi32, #tpu.memory_space<vmem>> -> memref<128xi32, #tpu.memory_space<vmem>>
      %dma_start3A_258 = arith.constant 0 : i32
      %dma_start3A_259 = arith.constant 0 : i32
      %dma_start3A_260 = tpu.memref_slice %arg3[%dma_start3A_258, %dma_start3A_259] : memref<100001x128xf32, #tpu.memory_space<hbm>> -> memref<100001x128xf32, #tpu.memory_space<hbm>>
      tpu.enqueue_indirect_dma source(%dma_start3A_260 : memref<100001x128xf32, #tpu.memory_space<hbm>>) target(%dma_start3A_254 : memref<128x128xf32, #tpu.memory_space<vmem>>) offsets(%dma_start3A_257 : memref<128xi32, #tpu.memory_space<vmem>>) semaphore(%arg17 : memref<!tpu.dma_semaphore, #tpu.memory_space<semaphore_mem>>) {add = true}
      %dma_start3A_261 = arith.constant 9 : i32
      %dma_start3A_262 = arith.constant 1 : i32
      %dma_start3A_263 = arith.constant 0 : i32
      %dma_start3A_264 = tpu.memref_slice %arg11[%dma_start3A_262, %dma_start3A_263] : memref<129x128xf32, #tpu.memory_space<vmem>> -> memref<128x128xf32, #tpu.memory_space<vmem>>
      %dma_start3A_265 = arith.constant 0 : i32
      %dma_start3A_266 = tpu.memref_slice %arg9[%dma_start3A_261, %dma_start3A_265] : memref<11x128xi32, #tpu.memory_space<vmem>> -> memref<1x128xi32, #tpu.memory_space<vmem>>
      %dma_start3A_267 = tpu.memref_squeeze %dma_start3A_266 : memref<1x128xi32, #tpu.memory_space<vmem>> -> memref<128xi32, #tpu.memory_space<vmem>>
      %dma_start3A_268 = arith.constant 0 : i32
      %dma_start3A_269 = arith.constant 0 : i32
      %dma_start3A_270 = tpu.memref_slice %arg4[%dma_start3A_268, %dma_start3A_269] : memref<512x128xf32, #tpu.memory_space<hbm>> -> memref<512x128xf32, #tpu.memory_space<hbm>>
      tpu.enqueue_indirect_dma source(%dma_start3A_270 : memref<512x128xf32, #tpu.memory_space<hbm>>) target(%dma_start3A_264 : memref<128x128xf32, #tpu.memory_space<vmem>>) offsets(%dma_start3A_267 : memref<128xi32, #tpu.memory_space<vmem>>) semaphore(%arg17 : memref<!tpu.dma_semaphore, #tpu.memory_space<semaphore_mem>>) {add = true}
      %dma_start3A_271 = arith.constant 10 : i32
      %dma_start3A_272 = arith.constant 1 : i32
      %dma_start3A_273 = arith.constant 0 : i32
      %dma_start3A_274 = tpu.memref_slice %arg11[%dma_start3A_272, %dma_start3A_273] : memref<129x128xf32, #tpu.memory_space<vmem>> -> memref<128x128xf32, #tpu.memory_space<vmem>>
      %dma_start3A_275 = arith.constant 0 : i32
      %dma_start3A_276 = tpu.memref_slice %arg9[%dma_start3A_271, %dma_start3A_275] : memref<11x128xi32, #tpu.memory_space<vmem>> -> memref<1x128xi32, #tpu.memory_space<vmem>>
      %dma_start3A_277 = tpu.memref_squeeze %dma_start3A_276 : memref<1x128xi32, #tpu.memory_space<vmem>> -> memref<128xi32, #tpu.memory_space<vmem>>
      %dma_start3A_278 = arith.constant 0 : i32
      %dma_start3A_279 = arith.constant 0 : i32
      %dma_start3A_280 = tpu.memref_slice %arg5[%dma_start3A_278, %dma_start3A_279] : memref<512x128xf32, #tpu.memory_space<hbm>> -> memref<512x128xf32, #tpu.memory_space<hbm>>
      tpu.enqueue_indirect_dma source(%dma_start3A_280 : memref<512x128xf32, #tpu.memory_space<hbm>>) target(%dma_start3A_274 : memref<128x128xf32, #tpu.memory_space<vmem>>) offsets(%dma_start3A_277 : memref<128xi32, #tpu.memory_space<vmem>>) semaphore(%arg17 : memref<!tpu.dma_semaphore, #tpu.memory_space<semaphore_mem>>) {add = true}
      %dma_wait3A_281 = arith.constant 1 : i32
      %dma_wait3A_282 = arith.constant 1 : i32
      %dma_wait3A_283 = arith.constant 0 : i32
      %dma_wait3A_284 = tpu.memref_slice %arg10[%dma_wait3A_282, %dma_wait3A_283] : memref<129x128xf32, #tpu.memory_space<vmem>> -> memref<128x128xf32, #tpu.memory_space<vmem>>
      %dma_wait3A_285 = arith.constant 0 : i32
      %dma_wait3A_286 = tpu.memref_slice %arg8[%dma_wait3A_281, %dma_wait3A_285] : memref<11x128xi32, #tpu.memory_space<vmem>> -> memref<1x128xi32, #tpu.memory_space<vmem>>
      %dma_wait3A_287 = tpu.memref_squeeze %dma_wait3A_286 : memref<1x128xi32, #tpu.memory_space<vmem>> -> memref<128xi32, #tpu.memory_space<vmem>>
      %dma_wait3A_288 = arith.constant 0 : i32
      %dma_wait3A_289 = arith.constant 0 : i32
      %dma_wait3A_290 = tpu.memref_slice %arg3[%dma_wait3A_288, %dma_wait3A_289] : memref<100001x128xf32, #tpu.memory_space<hbm>> -> memref<100001x128xf32, #tpu.memory_space<hbm>>
      tpu.wait_indirect_dma semaphore(%arg16 : memref<!tpu.dma_semaphore, #tpu.memory_space<semaphore_mem>>) src(%dma_wait3A_290 : memref<100001x128xf32, #tpu.memory_space<hbm>>) dst(%dma_wait3A_284 : memref<128x128xf32, #tpu.memory_space<vmem>>)
      %dma_wait3A_291 = arith.constant 2 : i32
      %dma_wait3A_292 = arith.constant 1 : i32
      %dma_wait3A_293 = arith.constant 0 : i32
      %dma_wait3A_294 = tpu.memref_slice %arg10[%dma_wait3A_292, %dma_wait3A_293] : memref<129x128xf32, #tpu.memory_space<vmem>> -> memref<128x128xf32, #tpu.memory_space<vmem>>
      %dma_wait3A_295 = arith.constant 0 : i32
      %dma_wait3A_296 = tpu.memref_slice %arg8[%dma_wait3A_291, %dma_wait3A_295] : memref<11x128xi32, #tpu.memory_space<vmem>> -> memref<1x128xi32, #tpu.memory_space<vmem>>
      %dma_wait3A_297 = tpu.memref_squeeze %dma_wait3A_296 : memref<1x128xi32, #tpu.memory_space<vmem>> -> memref<128xi32, #tpu.memory_space<vmem>>
      %dma_wait3A_298 = arith.constant 0 : i32
      %dma_wait3A_299 = arith.constant 0 : i32
      %dma_wait3A_300 = tpu.memref_slice %arg3[%dma_wait3A_298, %dma_wait3A_299] : memref<100001x128xf32, #tpu.memory_space<hbm>> -> memref<100001x128xf32, #tpu.memory_space<hbm>>
      tpu.wait_indirect_dma semaphore(%arg16 : memref<!tpu.dma_semaphore, #tpu.memory_space<semaphore_mem>>) src(%dma_wait3A_300 : memref<100001x128xf32, #tpu.memory_space<hbm>>) dst(%dma_wait3A_294 : memref<128x128xf32, #tpu.memory_space<vmem>>)
      %dma_wait3A_301 = arith.constant 3 : i32
      %dma_wait3A_302 = arith.constant 1 : i32
      %dma_wait3A_303 = arith.constant 0 : i32
      %dma_wait3A_304 = tpu.memref_slice %arg10[%dma_wait3A_302, %dma_wait3A_303] : memref<129x128xf32, #tpu.memory_space<vmem>> -> memref<128x128xf32, #tpu.memory_space<vmem>>
      %dma_wait3A_305 = arith.constant 0 : i32
      %dma_wait3A_306 = tpu.memref_slice %arg8[%dma_wait3A_301, %dma_wait3A_305] : memref<11x128xi32, #tpu.memory_space<vmem>> -> memref<1x128xi32, #tpu.memory_space<vmem>>
      %dma_wait3A_307 = tpu.memref_squeeze %dma_wait3A_306 : memref<1x128xi32, #tpu.memory_space<vmem>> -> memref<128xi32, #tpu.memory_space<vmem>>
      %dma_wait3A_308 = arith.constant 0 : i32
      %dma_wait3A_309 = arith.constant 0 : i32
      %dma_wait3A_310 = tpu.memref_slice %arg3[%dma_wait3A_308, %dma_wait3A_309] : memref<100001x128xf32, #tpu.memory_space<hbm>> -> memref<100001x128xf32, #tpu.memory_space<hbm>>
      tpu.wait_indirect_dma semaphore(%arg16 : memref<!tpu.dma_semaphore, #tpu.memory_space<semaphore_mem>>) src(%dma_wait3A_310 : memref<100001x128xf32, #tpu.memory_space<hbm>>) dst(%dma_wait3A_304 : memref<128x128xf32, #tpu.memory_space<vmem>>)
      %dma_wait3A_311 = arith.constant 4 : i32
      %dma_wait3A_312 = arith.constant 1 : i32
      %dma_wait3A_313 = arith.constant 0 : i32
      %dma_wait3A_314 = tpu.memref_slice %arg10[%dma_wait3A_312, %dma_wait3A_313] : memref<129x128xf32, #tpu.memory_space<vmem>> -> memref<128x128xf32, #tpu.memory_space<vmem>>
      %dma_wait3A_315 = arith.constant 0 : i32
      %dma_wait3A_316 = tpu.memref_slice %arg8[%dma_wait3A_311, %dma_wait3A_315] : memref<11x128xi32, #tpu.memory_space<vmem>> -> memref<1x128xi32, #tpu.memory_space<vmem>>
      %dma_wait3A_317 = tpu.memref_squeeze %dma_wait3A_316 : memref<1x128xi32, #tpu.memory_space<vmem>> -> memref<128xi32, #tpu.memory_space<vmem>>
      %dma_wait3A_318 = arith.constant 0 : i32
      %dma_wait3A_319 = arith.constant 0 : i32
      %dma_wait3A_320 = tpu.memref_slice %arg3[%dma_wait3A_318, %dma_wait3A_319] : memref<100001x128xf32, #tpu.memory_space<hbm>> -> memref<100001x128xf32, #tpu.memory_space<hbm>>
      tpu.wait_indirect_dma semaphore(%arg16 : memref<!tpu.dma_semaphore, #tpu.memory_space<semaphore_mem>>) src(%dma_wait3A_320 : memref<100001x128xf32, #tpu.memory_space<hbm>>) dst(%dma_wait3A_314 : memref<128x128xf32, #tpu.memory_space<vmem>>)
      %dma_wait3A_321 = arith.constant 5 : i32
      %dma_wait3A_322 = arith.constant 1 : i32
      %dma_wait3A_323 = arith.constant 0 : i32
      %dma_wait3A_324 = tpu.memref_slice %arg10[%dma_wait3A_322, %dma_wait3A_323] : memref<129x128xf32, #tpu.memory_space<vmem>> -> memref<128x128xf32, #tpu.memory_space<vmem>>
      %dma_wait3A_325 = arith.constant 0 : i32
      %dma_wait3A_326 = tpu.memref_slice %arg8[%dma_wait3A_321, %dma_wait3A_325] : memref<11x128xi32, #tpu.memory_space<vmem>> -> memref<1x128xi32, #tpu.memory_space<vmem>>
      %dma_wait3A_327 = tpu.memref_squeeze %dma_wait3A_326 : memref<1x128xi32, #tpu.memory_space<vmem>> -> memref<128xi32, #tpu.memory_space<vmem>>
      %dma_wait3A_328 = arith.constant 0 : i32
      %dma_wait3A_329 = arith.constant 0 : i32
      %dma_wait3A_330 = tpu.memref_slice %arg3[%dma_wait3A_328, %dma_wait3A_329] : memref<100001x128xf32, #tpu.memory_space<hbm>> -> memref<100001x128xf32, #tpu.memory_space<hbm>>
      tpu.wait_indirect_dma semaphore(%arg16 : memref<!tpu.dma_semaphore, #tpu.memory_space<semaphore_mem>>) src(%dma_wait3A_330 : memref<100001x128xf32, #tpu.memory_space<hbm>>) dst(%dma_wait3A_324 : memref<128x128xf32, #tpu.memory_space<vmem>>)
      %dma_wait3A_331 = arith.constant 6 : i32
      %dma_wait3A_332 = arith.constant 1 : i32
      %dma_wait3A_333 = arith.constant 0 : i32
      %dma_wait3A_334 = tpu.memref_slice %arg10[%dma_wait3A_332, %dma_wait3A_333] : memref<129x128xf32, #tpu.memory_space<vmem>> -> memref<128x128xf32, #tpu.memory_space<vmem>>
      %dma_wait3A_335 = arith.constant 0 : i32
      %dma_wait3A_336 = tpu.memref_slice %arg8[%dma_wait3A_331, %dma_wait3A_335] : memref<11x128xi32, #tpu.memory_space<vmem>> -> memref<1x128xi32, #tpu.memory_space<vmem>>
      %dma_wait3A_337 = tpu.memref_squeeze %dma_wait3A_336 : memref<1x128xi32, #tpu.memory_space<vmem>> -> memref<128xi32, #tpu.memory_space<vmem>>
      %dma_wait3A_338 = arith.constant 0 : i32
      %dma_wait3A_339 = arith.constant 0 : i32
      %dma_wait3A_340 = tpu.memref_slice %arg3[%dma_wait3A_338, %dma_wait3A_339] : memref<100001x128xf32, #tpu.memory_space<hbm>> -> memref<100001x128xf32, #tpu.memory_space<hbm>>
      tpu.wait_indirect_dma semaphore(%arg16 : memref<!tpu.dma_semaphore, #tpu.memory_space<semaphore_mem>>) src(%dma_wait3A_340 : memref<100001x128xf32, #tpu.memory_space<hbm>>) dst(%dma_wait3A_334 : memref<128x128xf32, #tpu.memory_space<vmem>>)
      %dma_wait3A_341 = arith.constant 7 : i32
      %dma_wait3A_342 = arith.constant 1 : i32
      %dma_wait3A_343 = arith.constant 0 : i32
      %dma_wait3A_344 = tpu.memref_slice %arg10[%dma_wait3A_342, %dma_wait3A_343] : memref<129x128xf32, #tpu.memory_space<vmem>> -> memref<128x128xf32, #tpu.memory_space<vmem>>
      %dma_wait3A_345 = arith.constant 0 : i32
      %dma_wait3A_346 = tpu.memref_slice %arg8[%dma_wait3A_341, %dma_wait3A_345] : memref<11x128xi32, #tpu.memory_space<vmem>> -> memref<1x128xi32, #tpu.memory_space<vmem>>
      %dma_wait3A_347 = tpu.memref_squeeze %dma_wait3A_346 : memref<1x128xi32, #tpu.memory_space<vmem>> -> memref<128xi32, #tpu.memory_space<vmem>>
      %dma_wait3A_348 = arith.constant 0 : i32
      %dma_wait3A_349 = arith.constant 0 : i32
      %dma_wait3A_350 = tpu.memref_slice %arg3[%dma_wait3A_348, %dma_wait3A_349] : memref<100001x128xf32, #tpu.memory_space<hbm>> -> memref<100001x128xf32, #tpu.memory_space<hbm>>
      tpu.wait_indirect_dma semaphore(%arg16 : memref<!tpu.dma_semaphore, #tpu.memory_space<semaphore_mem>>) src(%dma_wait3A_350 : memref<100001x128xf32, #tpu.memory_space<hbm>>) dst(%dma_wait3A_344 : memref<128x128xf32, #tpu.memory_space<vmem>>)
      %dma_wait3A_351 = arith.constant 8 : i32
      %dma_wait3A_352 = arith.constant 1 : i32
      %dma_wait3A_353 = arith.constant 0 : i32
      %dma_wait3A_354 = tpu.memref_slice %arg10[%dma_wait3A_352, %dma_wait3A_353] : memref<129x128xf32, #tpu.memory_space<vmem>> -> memref<128x128xf32, #tpu.memory_space<vmem>>
      %dma_wait3A_355 = arith.constant 0 : i32
      %dma_wait3A_356 = tpu.memref_slice %arg8[%dma_wait3A_351, %dma_wait3A_355] : memref<11x128xi32, #tpu.memory_space<vmem>> -> memref<1x128xi32, #tpu.memory_space<vmem>>
      %dma_wait3A_357 = tpu.memref_squeeze %dma_wait3A_356 : memref<1x128xi32, #tpu.memory_space<vmem>> -> memref<128xi32, #tpu.memory_space<vmem>>
      %dma_wait3A_358 = arith.constant 0 : i32
      %dma_wait3A_359 = arith.constant 0 : i32
      %dma_wait3A_360 = tpu.memref_slice %arg3[%dma_wait3A_358, %dma_wait3A_359] : memref<100001x128xf32, #tpu.memory_space<hbm>> -> memref<100001x128xf32, #tpu.memory_space<hbm>>
      tpu.wait_indirect_dma semaphore(%arg16 : memref<!tpu.dma_semaphore, #tpu.memory_space<semaphore_mem>>) src(%dma_wait3A_360 : memref<100001x128xf32, #tpu.memory_space<hbm>>) dst(%dma_wait3A_354 : memref<128x128xf32, #tpu.memory_space<vmem>>)
      %dma_wait3A_361 = arith.constant 9 : i32
      %dma_wait3A_362 = arith.constant 1 : i32
      %dma_wait3A_363 = arith.constant 0 : i32
      %dma_wait3A_364 = tpu.memref_slice %arg10[%dma_wait3A_362, %dma_wait3A_363] : memref<129x128xf32, #tpu.memory_space<vmem>> -> memref<128x128xf32, #tpu.memory_space<vmem>>
      %dma_wait3A_365 = arith.constant 0 : i32
      %dma_wait3A_366 = tpu.memref_slice %arg8[%dma_wait3A_361, %dma_wait3A_365] : memref<11x128xi32, #tpu.memory_space<vmem>> -> memref<1x128xi32, #tpu.memory_space<vmem>>
      %dma_wait3A_367 = tpu.memref_squeeze %dma_wait3A_366 : memref<1x128xi32, #tpu.memory_space<vmem>> -> memref<128xi32, #tpu.memory_space<vmem>>
      %dma_wait3A_368 = arith.constant 0 : i32
      %dma_wait3A_369 = arith.constant 0 : i32
      %dma_wait3A_370 = tpu.memref_slice %arg4[%dma_wait3A_368, %dma_wait3A_369] : memref<512x128xf32, #tpu.memory_space<hbm>> -> memref<512x128xf32, #tpu.memory_space<hbm>>
      tpu.wait_indirect_dma semaphore(%arg16 : memref<!tpu.dma_semaphore, #tpu.memory_space<semaphore_mem>>) src(%dma_wait3A_370 : memref<512x128xf32, #tpu.memory_space<hbm>>) dst(%dma_wait3A_364 : memref<128x128xf32, #tpu.memory_space<vmem>>)
      %dma_wait3A_371 = arith.constant 10 : i32
      %dma_wait3A_372 = arith.constant 1 : i32
      %dma_wait3A_373 = arith.constant 0 : i32
      %dma_wait3A_374 = tpu.memref_slice %arg10[%dma_wait3A_372, %dma_wait3A_373] : memref<129x128xf32, #tpu.memory_space<vmem>> -> memref<128x128xf32, #tpu.memory_space<vmem>>
      %dma_wait3A_375 = arith.constant 0 : i32
      %dma_wait3A_376 = tpu.memref_slice %arg8[%dma_wait3A_371, %dma_wait3A_375] : memref<11x128xi32, #tpu.memory_space<vmem>> -> memref<1x128xi32, #tpu.memory_space<vmem>>
      %dma_wait3A_377 = tpu.memref_squeeze %dma_wait3A_376 : memref<1x128xi32, #tpu.memory_space<vmem>> -> memref<128xi32, #tpu.memory_space<vmem>>
      %dma_wait3A_378 = arith.constant 0 : i32
      %dma_wait3A_379 = arith.constant 0 : i32
      %dma_wait3A_380 = tpu.memref_slice %arg5[%dma_wait3A_378, %dma_wait3A_379] : memref<512x128xf32, #tpu.memory_space<hbm>> -> memref<512x128xf32, #tpu.memory_space<hbm>>
      tpu.wait_indirect_dma semaphore(%arg16 : memref<!tpu.dma_semaphore, #tpu.memory_space<semaphore_mem>>) src(%dma_wait3A_380 : memref<512x128xf32, #tpu.memory_space<hbm>>) dst(%dma_wait3A_374 : memref<128x128xf32, #tpu.memory_space<vmem>>)
      %dma_start3A_381 = arith.constant 0 : i32
      %dma_start3A_382 = arith.constant 0 : i32
      %dma_start3A_383 = tpu.memref_slice %arg2[%min3A_34, %dma_start3A_381, %dma_start3A_382] : memref<1024x11x128xi32, #tpu.memory_space<hbm>> -> memref<1x11x128xi32, #tpu.memory_space<hbm>>
      %dma_start3A_384 = tpu.memref_squeeze %dma_start3A_383 : memref<1x11x128xi32, #tpu.memory_space<hbm>> -> memref<11x128xi32, #tpu.memory_space<hbm>>
      %dma_start3A_385 = arith.constant 0 : i32
      %dma_start3A_386 = arith.constant 0 : i32
      %dma_start3A_387 = tpu.memref_slice %arg2[%min3A_34, %dma_start3A_385, %dma_start3A_386] : memref<1024x11x128xi32, #tpu.memory_space<hbm>> -> memref<1x11x128xi32, #tpu.memory_space<hbm>>
      %dma_start3A_388 = tpu.memref_squeeze %dma_start3A_387 : memref<1x11x128xi32, #tpu.memory_space<hbm>> -> memref<11x128xi32, #tpu.memory_space<hbm>>
      tpu.enqueue_dma source(%dma_start3A_388 : memref<11x128xi32, #tpu.memory_space<hbm>>) target(%arg8 : memref<11x128xi32, #tpu.memory_space<vmem>>) target_semaphore(%arg12 : memref<!tpu.dma_semaphore, #tpu.memory_space<semaphore_mem>>)
      "tpu.region"() ({
        %run_scoped3A = tpu.sem_alloc : memref<!tpu.dma_semaphore, #tpu.memory_space<semaphore_mem>>
        %dma_start3A_507 = arith.constant 0 : i32
        %dma_start3A_508 = arith.constant 0 : i32
        %dma_start3A_509 = tpu.memref_slice %arg7[%add3A_29, %dma_start3A_507, %dma_start3A_508] : memref<1024x129x128xf32, #tpu.memory_space<hbm>> -> memref<1x129x128xf32, #tpu.memory_space<hbm>>
        %dma_start3A_510 = tpu.memref_squeeze %dma_start3A_509 : memref<1x129x128xf32, #tpu.memory_space<hbm>> -> memref<129x128xf32, #tpu.memory_space<hbm>>
        %dma_start3A_511 = arith.constant 0 : i32
        %dma_start3A_512 = arith.constant 0 : i32
        %dma_start3A_513 = tpu.memref_slice %arg7[%add3A_29, %dma_start3A_511, %dma_start3A_512] : memref<1024x129x128xf32, #tpu.memory_space<hbm>> -> memref<1x129x128xf32, #tpu.memory_space<hbm>>
        %dma_start3A_514 = tpu.memref_squeeze %dma_start3A_513 : memref<1x129x128xf32, #tpu.memory_space<hbm>> -> memref<129x128xf32, #tpu.memory_space<hbm>>
        tpu.enqueue_dma source(%arg10 : memref<129x128xf32, #tpu.memory_space<vmem>>) target(%dma_start3A_514 : memref<129x128xf32, #tpu.memory_space<hbm>>) target_semaphore(%run_scoped3A : memref<!tpu.dma_semaphore, #tpu.memory_space<semaphore_mem>>)
        %dma_wait3A_515 = arith.constant 0 : i32
        %dma_wait3A_516 = arith.constant 0 : i32
        %dma_wait3A_517 = tpu.memref_slice %arg7[%add3A_29, %dma_wait3A_515, %dma_wait3A_516] : memref<1024x129x128xf32, #tpu.memory_space<hbm>> -> memref<1x129x128xf32, #tpu.memory_space<hbm>>
        %dma_wait3A_518 = tpu.memref_squeeze %dma_wait3A_517 : memref<1x129x128xf32, #tpu.memory_space<hbm>> -> memref<129x128xf32, #tpu.memory_space<hbm>>
        %dma_wait3A_519 = arith.constant 0 : i32
        %dma_wait3A_520 = arith.constant 0 : i32
        %dma_wait3A_521 = tpu.memref_slice %arg7[%add3A_29, %dma_wait3A_519, %dma_wait3A_520] : memref<1024x129x128xf32, #tpu.memory_space<hbm>> -> memref<1x129x128xf32, #tpu.memory_space<hbm>>
        %dma_wait3A_522 = tpu.memref_squeeze %dma_wait3A_521 : memref<1x129x128xf32, #tpu.memory_space<hbm>> -> memref<129x128xf32, #tpu.memory_space<hbm>>
        tpu.wait_dma2 semaphore(%run_scoped3A : memref<!tpu.dma_semaphore, #tpu.memory_space<semaphore_mem>>) src(%arg10 : memref<129x128xf32, #tpu.memory_space<vmem>>) dst(%dma_wait3A_522 : memref<129x128xf32, #tpu.memory_space<hbm>>)
        tpu.yield
      }) : () -> ()
      %dma_wait3A_389 = arith.constant 0 : i32
      %dma_wait3A_390 = arith.constant 0 : i32
      %dma_wait3A_391 = tpu.memref_slice %arg2[%min3A_34, %dma_wait3A_389, %dma_wait3A_390] : memref<1024x11x128xi32, #tpu.memory_space<hbm>> -> memref<1x11x128xi32, #tpu.memory_space<hbm>>
      %dma_wait3A_392 = tpu.memref_squeeze %dma_wait3A_391 : memref<1x11x128xi32, #tpu.memory_space<hbm>> -> memref<11x128xi32, #tpu.memory_space<hbm>>
      %dma_wait3A_393 = arith.constant 0 : i32
      %dma_wait3A_394 = arith.constant 0 : i32
      %dma_wait3A_395 = tpu.memref_slice %arg2[%min3A_34, %dma_wait3A_393, %dma_wait3A_394] : memref<1024x11x128xi32, #tpu.memory_space<hbm>> -> memref<1x11x128xi32, #tpu.memory_space<hbm>>
      %dma_wait3A_396 = tpu.memref_squeeze %dma_wait3A_395 : memref<1x11x128xi32, #tpu.memory_space<hbm>> -> memref<11x128xi32, #tpu.memory_space<hbm>>
      tpu.wait_dma2 semaphore(%arg12 : memref<!tpu.dma_semaphore, #tpu.memory_space<semaphore_mem>>) src(%dma_wait3A_396 : memref<11x128xi32, #tpu.memory_space<hbm>>) dst(%arg8 : memref<11x128xi32, #tpu.memory_space<vmem>>)
      %dma_start3A_397 = arith.constant 0 : i32
      %dma_start3A_398 = arith.constant 1 : i32
      %dma_start3A_399 = arith.constant 0 : i32
      %dma_start3A_400 = tpu.memref_slice %arg10[%dma_start3A_398, %dma_start3A_399] : memref<129x128xf32, #tpu.memory_space<vmem>> -> memref<128x128xf32, #tpu.memory_space<vmem>>
      %dma_start3A_401 = arith.constant 0 : i32
      %dma_start3A_402 = tpu.memref_slice %arg8[%dma_start3A_397, %dma_start3A_401] : memref<11x128xi32, #tpu.memory_space<vmem>> -> memref<1x128xi32, #tpu.memory_space<vmem>>
      %dma_start3A_403 = tpu.memref_squeeze %dma_start3A_402 : memref<1x128xi32, #tpu.memory_space<vmem>> -> memref<128xi32, #tpu.memory_space<vmem>>
      %dma_start3A_404 = arith.constant 0 : i32
      %dma_start3A_405 = arith.constant 0 : i32
      %dma_start3A_406 = tpu.memref_slice %arg3[%dma_start3A_404, %dma_start3A_405] : memref<100001x128xf32, #tpu.memory_space<hbm>> -> memref<100001x128xf32, #tpu.memory_space<hbm>>
      tpu.enqueue_indirect_dma source(%dma_start3A_406 : memref<100001x128xf32, #tpu.memory_space<hbm>>) target(%dma_start3A_400 : memref<128x128xf32, #tpu.memory_space<vmem>>) offsets(%dma_start3A_403 : memref<128xi32, #tpu.memory_space<vmem>>) semaphore(%arg14 : memref<!tpu.dma_semaphore, #tpu.memory_space<semaphore_mem>>)
      %dma_wait3A_407 = arith.constant 1 : i32
      %dma_wait3A_408 = arith.constant 1 : i32
      %dma_wait3A_409 = arith.constant 0 : i32
      %dma_wait3A_410 = tpu.memref_slice %arg11[%dma_wait3A_408, %dma_wait3A_409] : memref<129x128xf32, #tpu.memory_space<vmem>> -> memref<128x128xf32, #tpu.memory_space<vmem>>
      %dma_wait3A_411 = arith.constant 0 : i32
      %dma_wait3A_412 = tpu.memref_slice %arg9[%dma_wait3A_407, %dma_wait3A_411] : memref<11x128xi32, #tpu.memory_space<vmem>> -> memref<1x128xi32, #tpu.memory_space<vmem>>
      %dma_wait3A_413 = tpu.memref_squeeze %dma_wait3A_412 : memref<1x128xi32, #tpu.memory_space<vmem>> -> memref<128xi32, #tpu.memory_space<vmem>>
      %dma_wait3A_414 = arith.constant 0 : i32
      %dma_wait3A_415 = arith.constant 0 : i32
      %dma_wait3A_416 = tpu.memref_slice %arg3[%dma_wait3A_414, %dma_wait3A_415] : memref<100001x128xf32, #tpu.memory_space<hbm>> -> memref<100001x128xf32, #tpu.memory_space<hbm>>
      tpu.wait_indirect_dma semaphore(%arg17 : memref<!tpu.dma_semaphore, #tpu.memory_space<semaphore_mem>>) src(%dma_wait3A_416 : memref<100001x128xf32, #tpu.memory_space<hbm>>) dst(%dma_wait3A_410 : memref<128x128xf32, #tpu.memory_space<vmem>>)
      %dma_wait3A_417 = arith.constant 2 : i32
      %dma_wait3A_418 = arith.constant 1 : i32
      %dma_wait3A_419 = arith.constant 0 : i32
      %dma_wait3A_420 = tpu.memref_slice %arg11[%dma_wait3A_418, %dma_wait3A_419] : memref<129x128xf32, #tpu.memory_space<vmem>> -> memref<128x128xf32, #tpu.memory_space<vmem>>
      %dma_wait3A_421 = arith.constant 0 : i32
      %dma_wait3A_422 = tpu.memref_slice %arg9[%dma_wait3A_417, %dma_wait3A_421] : memref<11x128xi32, #tpu.memory_space<vmem>> -> memref<1x128xi32, #tpu.memory_space<vmem>>
      %dma_wait3A_423 = tpu.memref_squeeze %dma_wait3A_422 : memref<1x128xi32, #tpu.memory_space<vmem>> -> memref<128xi32, #tpu.memory_space<vmem>>
      %dma_wait3A_424 = arith.constant 0 : i32
      %dma_wait3A_425 = arith.constant 0 : i32
      %dma_wait3A_426 = tpu.memref_slice %arg3[%dma_wait3A_424, %dma_wait3A_425] : memref<100001x128xf32, #tpu.memory_space<hbm>> -> memref<100001x128xf32, #tpu.memory_space<hbm>>
      tpu.wait_indirect_dma semaphore(%arg17 : memref<!tpu.dma_semaphore, #tpu.memory_space<semaphore_mem>>) src(%dma_wait3A_426 : memref<100001x128xf32, #tpu.memory_space<hbm>>) dst(%dma_wait3A_420 : memref<128x128xf32, #tpu.memory_space<vmem>>)
      %dma_wait3A_427 = arith.constant 3 : i32
      %dma_wait3A_428 = arith.constant 1 : i32
      %dma_wait3A_429 = arith.constant 0 : i32
      %dma_wait3A_430 = tpu.memref_slice %arg11[%dma_wait3A_428, %dma_wait3A_429] : memref<129x128xf32, #tpu.memory_space<vmem>> -> memref<128x128xf32, #tpu.memory_space<vmem>>
      %dma_wait3A_431 = arith.constant 0 : i32
      %dma_wait3A_432 = tpu.memref_slice %arg9[%dma_wait3A_427, %dma_wait3A_431] : memref<11x128xi32, #tpu.memory_space<vmem>> -> memref<1x128xi32, #tpu.memory_space<vmem>>
      %dma_wait3A_433 = tpu.memref_squeeze %dma_wait3A_432 : memref<1x128xi32, #tpu.memory_space<vmem>> -> memref<128xi32, #tpu.memory_space<vmem>>
      %dma_wait3A_434 = arith.constant 0 : i32
      %dma_wait3A_435 = arith.constant 0 : i32
      %dma_wait3A_436 = tpu.memref_slice %arg3[%dma_wait3A_434, %dma_wait3A_435] : memref<100001x128xf32, #tpu.memory_space<hbm>> -> memref<100001x128xf32, #tpu.memory_space<hbm>>
      tpu.wait_indirect_dma semaphore(%arg17 : memref<!tpu.dma_semaphore, #tpu.memory_space<semaphore_mem>>) src(%dma_wait3A_436 : memref<100001x128xf32, #tpu.memory_space<hbm>>) dst(%dma_wait3A_430 : memref<128x128xf32, #tpu.memory_space<vmem>>)
      %dma_wait3A_437 = arith.constant 4 : i32
      %dma_wait3A_438 = arith.constant 1 : i32
      %dma_wait3A_439 = arith.constant 0 : i32
      %dma_wait3A_440 = tpu.memref_slice %arg11[%dma_wait3A_438, %dma_wait3A_439] : memref<129x128xf32, #tpu.memory_space<vmem>> -> memref<128x128xf32, #tpu.memory_space<vmem>>
      %dma_wait3A_441 = arith.constant 0 : i32
      %dma_wait3A_442 = tpu.memref_slice %arg9[%dma_wait3A_437, %dma_wait3A_441] : memref<11x128xi32, #tpu.memory_space<vmem>> -> memref<1x128xi32, #tpu.memory_space<vmem>>
      %dma_wait3A_443 = tpu.memref_squeeze %dma_wait3A_442 : memref<1x128xi32, #tpu.memory_space<vmem>> -> memref<128xi32, #tpu.memory_space<vmem>>
      %dma_wait3A_444 = arith.constant 0 : i32
      %dma_wait3A_445 = arith.constant 0 : i32
      %dma_wait3A_446 = tpu.memref_slice %arg3[%dma_wait3A_444, %dma_wait3A_445] : memref<100001x128xf32, #tpu.memory_space<hbm>> -> memref<100001x128xf32, #tpu.memory_space<hbm>>
      tpu.wait_indirect_dma semaphore(%arg17 : memref<!tpu.dma_semaphore, #tpu.memory_space<semaphore_mem>>) src(%dma_wait3A_446 : memref<100001x128xf32, #tpu.memory_space<hbm>>) dst(%dma_wait3A_440 : memref<128x128xf32, #tpu.memory_space<vmem>>)
      %dma_wait3A_447 = arith.constant 5 : i32
      %dma_wait3A_448 = arith.constant 1 : i32
      %dma_wait3A_449 = arith.constant 0 : i32
      %dma_wait3A_450 = tpu.memref_slice %arg11[%dma_wait3A_448, %dma_wait3A_449] : memref<129x128xf32, #tpu.memory_space<vmem>> -> memref<128x128xf32, #tpu.memory_space<vmem>>
      %dma_wait3A_451 = arith.constant 0 : i32
      %dma_wait3A_452 = tpu.memref_slice %arg9[%dma_wait3A_447, %dma_wait3A_451] : memref<11x128xi32, #tpu.memory_space<vmem>> -> memref<1x128xi32, #tpu.memory_space<vmem>>
      %dma_wait3A_453 = tpu.memref_squeeze %dma_wait3A_452 : memref<1x128xi32, #tpu.memory_space<vmem>> -> memref<128xi32, #tpu.memory_space<vmem>>
      %dma_wait3A_454 = arith.constant 0 : i32
      %dma_wait3A_455 = arith.constant 0 : i32
      %dma_wait3A_456 = tpu.memref_slice %arg3[%dma_wait3A_454, %dma_wait3A_455] : memref<100001x128xf32, #tpu.memory_space<hbm>> -> memref<100001x128xf32, #tpu.memory_space<hbm>>
      tpu.wait_indirect_dma semaphore(%arg17 : memref<!tpu.dma_semaphore, #tpu.memory_space<semaphore_mem>>) src(%dma_wait3A_456 : memref<100001x128xf32, #tpu.memory_space<hbm>>) dst(%dma_wait3A_450 : memref<128x128xf32, #tpu.memory_space<vmem>>)
      %dma_wait3A_457 = arith.constant 6 : i32
      %dma_wait3A_458 = arith.constant 1 : i32
      %dma_wait3A_459 = arith.constant 0 : i32
      %dma_wait3A_460 = tpu.memref_slice %arg11[%dma_wait3A_458, %dma_wait3A_459] : memref<129x128xf32, #tpu.memory_space<vmem>> -> memref<128x128xf32, #tpu.memory_space<vmem>>
      %dma_wait3A_461 = arith.constant 0 : i32
      %dma_wait3A_462 = tpu.memref_slice %arg9[%dma_wait3A_457, %dma_wait3A_461] : memref<11x128xi32, #tpu.memory_space<vmem>> -> memref<1x128xi32, #tpu.memory_space<vmem>>
      %dma_wait3A_463 = tpu.memref_squeeze %dma_wait3A_462 : memref<1x128xi32, #tpu.memory_space<vmem>> -> memref<128xi32, #tpu.memory_space<vmem>>
      %dma_wait3A_464 = arith.constant 0 : i32
      %dma_wait3A_465 = arith.constant 0 : i32
      %dma_wait3A_466 = tpu.memref_slice %arg3[%dma_wait3A_464, %dma_wait3A_465] : memref<100001x128xf32, #tpu.memory_space<hbm>> -> memref<100001x128xf32, #tpu.memory_space<hbm>>
      tpu.wait_indirect_dma semaphore(%arg17 : memref<!tpu.dma_semaphore, #tpu.memory_space<semaphore_mem>>) src(%dma_wait3A_466 : memref<100001x128xf32, #tpu.memory_space<hbm>>) dst(%dma_wait3A_460 : memref<128x128xf32, #tpu.memory_space<vmem>>)
      %dma_wait3A_467 = arith.constant 7 : i32
      %dma_wait3A_468 = arith.constant 1 : i32
      %dma_wait3A_469 = arith.constant 0 : i32
      %dma_wait3A_470 = tpu.memref_slice %arg11[%dma_wait3A_468, %dma_wait3A_469] : memref<129x128xf32, #tpu.memory_space<vmem>> -> memref<128x128xf32, #tpu.memory_space<vmem>>
      %dma_wait3A_471 = arith.constant 0 : i32
      %dma_wait3A_472 = tpu.memref_slice %arg9[%dma_wait3A_467, %dma_wait3A_471] : memref<11x128xi32, #tpu.memory_space<vmem>> -> memref<1x128xi32, #tpu.memory_space<vmem>>
      %dma_wait3A_473 = tpu.memref_squeeze %dma_wait3A_472 : memref<1x128xi32, #tpu.memory_space<vmem>> -> memref<128xi32, #tpu.memory_space<vmem>>
      %dma_wait3A_474 = arith.constant 0 : i32
      %dma_wait3A_475 = arith.constant 0 : i32
      %dma_wait3A_476 = tpu.memref_slice %arg3[%dma_wait3A_474, %dma_wait3A_475] : memref<100001x128xf32, #tpu.memory_space<hbm>> -> memref<100001x128xf32, #tpu.memory_space<hbm>>
      tpu.wait_indirect_dma semaphore(%arg17 : memref<!tpu.dma_semaphore, #tpu.memory_space<semaphore_mem>>) src(%dma_wait3A_476 : memref<100001x128xf32, #tpu.memory_space<hbm>>) dst(%dma_wait3A_470 : memref<128x128xf32, #tpu.memory_space<vmem>>)
      %dma_wait3A_477 = arith.constant 8 : i32
      %dma_wait3A_478 = arith.constant 1 : i32
      %dma_wait3A_479 = arith.constant 0 : i32
      %dma_wait3A_480 = tpu.memref_slice %arg11[%dma_wait3A_478, %dma_wait3A_479] : memref<129x128xf32, #tpu.memory_space<vmem>> -> memref<128x128xf32, #tpu.memory_space<vmem>>
      %dma_wait3A_481 = arith.constant 0 : i32
      %dma_wait3A_482 = tpu.memref_slice %arg9[%dma_wait3A_477, %dma_wait3A_481] : memref<11x128xi32, #tpu.memory_space<vmem>> -> memref<1x128xi32, #tpu.memory_space<vmem>>
      %dma_wait3A_483 = tpu.memref_squeeze %dma_wait3A_482 : memref<1x128xi32, #tpu.memory_space<vmem>> -> memref<128xi32, #tpu.memory_space<vmem>>
      %dma_wait3A_484 = arith.constant 0 : i32
      %dma_wait3A_485 = arith.constant 0 : i32
      %dma_wait3A_486 = tpu.memref_slice %arg3[%dma_wait3A_484, %dma_wait3A_485] : memref<100001x128xf32, #tpu.memory_space<hbm>> -> memref<100001x128xf32, #tpu.memory_space<hbm>>
      tpu.wait_indirect_dma semaphore(%arg17 : memref<!tpu.dma_semaphore, #tpu.memory_space<semaphore_mem>>) src(%dma_wait3A_486 : memref<100001x128xf32, #tpu.memory_space<hbm>>) dst(%dma_wait3A_480 : memref<128x128xf32, #tpu.memory_space<vmem>>)
      %dma_wait3A_487 = arith.constant 9 : i32
      %dma_wait3A_488 = arith.constant 1 : i32
      %dma_wait3A_489 = arith.constant 0 : i32
      %dma_wait3A_490 = tpu.memref_slice %arg11[%dma_wait3A_488, %dma_wait3A_489] : memref<129x128xf32, #tpu.memory_space<vmem>> -> memref<128x128xf32, #tpu.memory_space<vmem>>
      %dma_wait3A_491 = arith.constant 0 : i32
      %dma_wait3A_492 = tpu.memref_slice %arg9[%dma_wait3A_487, %dma_wait3A_491] : memref<11x128xi32, #tpu.memory_space<vmem>> -> memref<1x128xi32, #tpu.memory_space<vmem>>
      %dma_wait3A_493 = tpu.memref_squeeze %dma_wait3A_492 : memref<1x128xi32, #tpu.memory_space<vmem>> -> memref<128xi32, #tpu.memory_space<vmem>>
      %dma_wait3A_494 = arith.constant 0 : i32
      %dma_wait3A_495 = arith.constant 0 : i32
      %dma_wait3A_496 = tpu.memref_slice %arg4[%dma_wait3A_494, %dma_wait3A_495] : memref<512x128xf32, #tpu.memory_space<hbm>> -> memref<512x128xf32, #tpu.memory_space<hbm>>
      tpu.wait_indirect_dma semaphore(%arg17 : memref<!tpu.dma_semaphore, #tpu.memory_space<semaphore_mem>>) src(%dma_wait3A_496 : memref<512x128xf32, #tpu.memory_space<hbm>>) dst(%dma_wait3A_490 : memref<128x128xf32, #tpu.memory_space<vmem>>)
      %dma_wait3A_497 = arith.constant 10 : i32
      %dma_wait3A_498 = arith.constant 1 : i32
      %dma_wait3A_499 = arith.constant 0 : i32
      %dma_wait3A_500 = tpu.memref_slice %arg11[%dma_wait3A_498, %dma_wait3A_499] : memref<129x128xf32, #tpu.memory_space<vmem>> -> memref<128x128xf32, #tpu.memory_space<vmem>>
      %dma_wait3A_501 = arith.constant 0 : i32
      %dma_wait3A_502 = tpu.memref_slice %arg9[%dma_wait3A_497, %dma_wait3A_501] : memref<11x128xi32, #tpu.memory_space<vmem>> -> memref<1x128xi32, #tpu.memory_space<vmem>>
      %dma_wait3A_503 = tpu.memref_squeeze %dma_wait3A_502 : memref<1x128xi32, #tpu.memory_space<vmem>> -> memref<128xi32, #tpu.memory_space<vmem>>
      %dma_wait3A_504 = arith.constant 0 : i32
      %dma_wait3A_505 = arith.constant 0 : i32
      %dma_wait3A_506 = tpu.memref_slice %arg5[%dma_wait3A_504, %dma_wait3A_505] : memref<512x128xf32, #tpu.memory_space<hbm>> -> memref<512x128xf32, #tpu.memory_space<hbm>>
      tpu.wait_indirect_dma semaphore(%arg17 : memref<!tpu.dma_semaphore, #tpu.memory_space<semaphore_mem>>) src(%dma_wait3A_506 : memref<512x128xf32, #tpu.memory_space<hbm>>) dst(%dma_wait3A_500 : memref<128x128xf32, #tpu.memory_space<vmem>>)
      "tpu.region"() ({
        %run_scoped3A = tpu.sem_alloc : memref<!tpu.dma_semaphore, #tpu.memory_space<semaphore_mem>>
        %dma_start3A_507 = arith.constant 0 : i32
        %dma_start3A_508 = arith.constant 0 : i32
        %dma_start3A_509 = tpu.memref_slice %arg7[%add3A_31, %dma_start3A_507, %dma_start3A_508] : memref<1024x129x128xf32, #tpu.memory_space<hbm>> -> memref<1x129x128xf32, #tpu.memory_space<hbm>>
        %dma_start3A_510 = tpu.memref_squeeze %dma_start3A_509 : memref<1x129x128xf32, #tpu.memory_space<hbm>> -> memref<129x128xf32, #tpu.memory_space<hbm>>
        %dma_start3A_511 = arith.constant 0 : i32
        %dma_start3A_512 = arith.constant 0 : i32
        %dma_start3A_513 = tpu.memref_slice %arg7[%add3A_31, %dma_start3A_511, %dma_start3A_512] : memref<1024x129x128xf32, #tpu.memory_space<hbm>> -> memref<1x129x128xf32, #tpu.memory_space<hbm>>
        %dma_start3A_514 = tpu.memref_squeeze %dma_start3A_513 : memref<1x129x128xf32, #tpu.memory_space<hbm>> -> memref<129x128xf32, #tpu.memory_space<hbm>>
        tpu.enqueue_dma source(%arg11 : memref<129x128xf32, #tpu.memory_space<vmem>>) target(%dma_start3A_514 : memref<129x128xf32, #tpu.memory_space<hbm>>) target_semaphore(%run_scoped3A : memref<!tpu.dma_semaphore, #tpu.memory_space<semaphore_mem>>)
        %dma_wait3A_515 = arith.constant 0 : i32
        %dma_wait3A_516 = arith.constant 0 : i32
        %dma_wait3A_517 = tpu.memref_slice %arg7[%add3A_31, %dma_wait3A_515, %dma_wait3A_516] : memref<1024x129x128xf32, #tpu.memory_space<hbm>> -> memref<1x129x128xf32, #tpu.memory_space<hbm>>
        %dma_wait3A_518 = tpu.memref_squeeze %dma_wait3A_517 : memref<1x129x128xf32, #tpu.memory_space<hbm>> -> memref<129x128xf32, #tpu.memory_space<hbm>>
        %dma_wait3A_519 = arith.constant 0 : i32
        %dma_wait3A_520 = arith.constant 0 : i32
        %dma_wait3A_521 = tpu.memref_slice %arg7[%add3A_31, %dma_wait3A_519, %dma_wait3A_520] : memref<1024x129x128xf32, #tpu.memory_space<hbm>> -> memref<1x129x128xf32, #tpu.memory_space<hbm>>
        %dma_wait3A_522 = tpu.memref_squeeze %dma_wait3A_521 : memref<1x129x128xf32, #tpu.memory_space<hbm>> -> memref<129x128xf32, #tpu.memory_space<hbm>>
        tpu.wait_dma2 semaphore(%run_scoped3A : memref<!tpu.dma_semaphore, #tpu.memory_space<semaphore_mem>>) src(%arg11 : memref<129x128xf32, #tpu.memory_space<vmem>>) dst(%dma_wait3A_522 : memref<129x128xf32, #tpu.memory_space<hbm>>)
        tpu.yield
      }) : () -> ()
    }
    %scan3A_16 = arith.constant 16 : i32
    %dma_wait3A = arith.constant 0 : i32
    %dma_wait3A_17 = arith.constant 1 : i32
    %dma_wait3A_18 = arith.constant 0 : i32
    %dma_wait3A_19 = tpu.memref_slice %arg10[%dma_wait3A_17, %dma_wait3A_18] : memref<129x128xf32, #tpu.memory_space<vmem>> -> memref<128x128xf32, #tpu.memory_space<vmem>>
    %dma_wait3A_20 = arith.constant 0 : i32
    %dma_wait3A_21 = tpu.memref_slice %arg8[%dma_wait3A, %dma_wait3A_20] : memref<11x128xi32, #tpu.memory_space<vmem>> -> memref<1x128xi32, #tpu.memory_space<vmem>>
    %dma_wait3A_22 = tpu.memref_squeeze %dma_wait3A_21 : memref<1x128xi32, #tpu.memory_space<vmem>> -> memref<128xi32, #tpu.memory_space<vmem>>
    %dma_wait3A_23 = arith.constant 0 : i32
    %dma_wait3A_24 = arith.constant 0 : i32
    %dma_wait3A_25 = tpu.memref_slice %arg3[%dma_wait3A_23, %dma_wait3A_24] : memref<100001x128xf32, #tpu.memory_space<hbm>> -> memref<100001x128xf32, #tpu.memory_space<hbm>>
    tpu.wait_indirect_dma semaphore(%arg14 : memref<!tpu.dma_semaphore, #tpu.memory_space<semaphore_mem>>) src(%dma_wait3A_25 : memref<100001x128xf32, #tpu.memory_space<hbm>>) dst(%dma_wait3A_19 : memref<128x128xf32, #tpu.memory_space<vmem>>)
    return
  }
}

</mosaic_0001>

<sc_bundles>
// kernel: kernel.3.cloned.1.call-start
scs
__scs_entry_jumppad:
0x0: {  	(pc) =	sbr.rel $0x88, $3  }
0x1: {  	(tag) =	ssettag $0x0;
	lr =	simm.s32 $0x1  }
0x2: {  	[smem:$0x3F9A] =	sst lr;
	_ =	strace $0xD0000000  }
0x3: {  	_ = 	snop  }
0x4: {  	_ = 	snop  }
0x5: {  	_ = 	snop  }
0x6: {  	_ = 	snop  }
0x7: {  	_ = 	snop  }
__scs_overlays_trampoline_lowered:
0x8: {  	[smem:$0x3FA9] =	sst s0  }
0x9: {  	[smem:$0x3FAA] =	sst s1  }
0xa: {  	[smem:$0x3FAB] =	sst s2  }
0xb: {  	[smem:$0x3FAC] =	sst s3  }
0xc: {  	[smem:$0x3FAD] =	sst s4  }
0xd: {  	[smem:$0x3FAE] =	sst s5  }
0xe: {  	[smem:$0x3FAF] =	sst s6  }
0xf: {  	[smem:$0x3FB0] =	sst s7  }
0x10: {  	[smem:$0x3FB1] =	sst s8  }
0x11: {  	[smem:$0x3FB2] =	sst s9;
	s0 =	simm.s32 @!p0 $0x0  }
0x12: {  	s1 =	sld [smem:$0x3F98];
	s0 =	simm.s32 @p0 $0x1  }
0x13: {  	[smem:$0x3FB3] =	sst s0;
	s0 =	simm.s32 @!p1 $0x0  }
0x14: {  	s2 =	sld [smem:$0x3F97];
	s0 =	simm.s32 @p1 $0x1  }
0x15: {  	[smem:$0x3FB4] =	sst s0;
	s0 =	simm.s32 @!p2 $0x0  }
0x16: {  	s3 =	sld [smem:$0x3FDB];
	s0 =	simm.s32 @p2 $0x1  }
0x17: {  	s4 =	simm.s32 $0x1BF5;
	[smem:$0x3FB6] =	sst s0  }
0x18: {  	s0 =	sld [smem:$0x3F99];
	_ =	swait.ge [sflag:s4], $0x0  }
0x19: {  	s7 =	sld [smem:$0x3F9A]  }
0x1a: {  	s8 =	sadd.s32 $0xFFFFE003, lr  }
0x1b: {  	s9 =	sadd.s32 $0xFFFFFEF7, lr;
	s5 =	simm.s32 $0xFFFFFFFF;
	p2 =	slt.u32 s8, $0xFFFFF086  }
0x1c: {  	p1 =	slt.u32 s9, $0xF7A;
	s5 =	simm.s32 @!p2 $0x0  }
0x1d: {  	s5 =	simm.s32 @p1 $0x1;
	p0 =	seq.s32 s7, s2  }
0x1e: {  	s7 =	smul.u32 @!p0 $0xF7A, s2;
	p2 =	seq.s32 @!p0 s5, $0x0  }
0x1f: {  	s9 =	smul.u32 $0xF7A, s1;
	s8 =	simm.s32 @!p0 $0x1BF5;
	p2 =	por !p2, p0  }
0x20: {  	[sflag:s8] =	ssyncset.s32 @!p0 $0xFFFFF086;
	s6 =	sadd.s32 @!p0 s3, s7;
	s7 =	simm.s32 @!p0 $0x108  }
0x21: {  	s3 =	sadd.s32 s3, s9;
	s6 =	sadd.s32 @!p0 $0x88, s6;
	s7 =	simm.s32 @p2 $0x1082  }
0x22: {  	[simem:s7], [sflag:s8] =	dma.local @!p0 [hbm:s6], $0xF7A  }
0x23: {  	s9 =	sor.u32 $0xD0000000, s2;
	s6 =	simm.s32 $0x108;
	_ =	swait.ge @!p0 [sflag:s8], $0x0  }
0x24: {  	s3 =	sadd.s32 $0x88, s3;
	s6 =	simm.s32 @!p1 $0x1082;
	[sflag:s4] =	ssyncset.s32 $0xFFFFF086  }
0x25: {  	[simem:s6], [sflag:s4] =	dma.local [hbm:s3], $0xF7A  }
0x26: {  	[smem:$0x3F9A] =	sst s1;
	(tag) =	ssettag s2;
	_ =	strace s9  }
0x27: {  	s1 =	sld [smem:$0x3FAA]  }
0x28: {  	s2 =	sld [smem:$0x3FAB]  }
0x29: {  	s4 =	sld [smem:$0x3FAD]  }
0x2a: {  	p0 =	seq.s32 s5, $0x0;
	s5 =	sld [smem:$0x3FAE]  }
0x2b: {  	s6 =	sld [smem:$0x3FAF]  }
0x2c: {  	s7 =	sld [smem:$0x3FB0]  }
0x2d: {  	s3 =	simm.s32 $0x108;
	s8 =	sld [smem:$0x3FB1]  }
0x2e: {  	s3 =	simm.s32 @!p0 $0x1082;
	s9 =	sld [smem:$0x3FB2]  }
0x2f: {  	lr =	sadd.s32 s0, s3;
	s0 =	sld [smem:$0x3FA9]  }
0x30: {  	s3 =	sld [smem:$0x3FAC]  }
0x31: {  	[smem:$0x3FB5] =	sst s10  }
0x32: {  	s10 =	sld [smem:$0x3FB3];
	_ =	sdelay $0x3  }
0x33: {  	p0 =	seq.s32 s10, $0x1;
	s10 =	sld [smem:$0x3FB5];
	_ =	sdelay $0x3  }
0x34: {  	[smem:$0x3FB5] =	sst s10  }
0x35: {  	s10 =	sld [smem:$0x3FB4];
	_ =	sdelay $0x3  }
0x36: {  	p1 =	seq.s32 s10, $0x1;
	s10 =	sld [smem:$0x3FB5];
	_ =	sdelay $0x3  }
0x37: {  	[smem:$0x3FB5] =	sst s10  }
0x38: {  	s10 =	sld [smem:$0x3FB6]  }
0x39: {  	_ = 	snop;
	(pc) =	sbr.ind lr, $3  }
0x3a: {  	_ = 	snop  }
0x3b: {  	_ = 	snop  }
0x3c: {  	p2 =	seq.s32 s10, $0x1;
	s10 =	sld [smem:$0x3FB5]  }
0x3d: {  	_ =	shalt  }
0x3e: {  	_ =	shalt  }
0x3f: {  	_ =	shalt  }
0x40: {  	_ =	shalt  }
0x41: {  	_ =	shalt  }
0x42: {  	_ =	shalt  }
0x43: {  	_ =	shalt  }
0x44: {  	_ =	shalt  }
0x45: {  	_ =	shalt  }
0x46: {  	_ =	shalt  }
0x47: {  	_ =	shalt  }
0x48: {  	_ =	shalt  }
0x49: {  	_ =	shalt  }
0x4a: {  	_ =	shalt  }
0x4b: {  	_ =	shalt  }
0x4c: {  	_ =	shalt  }
0x4d: {  	_ =	shalt  }
0x4e: {  	_ =	shalt  }
0x4f: {  	_ =	shalt  }
0x50: {  	_ =	shalt  }
0x51: {  	_ =	shalt  }
0x52: {  	_ =	shalt  }
0x53: {  	_ =	shalt  }
0x54: {  	_ =	shalt  }
0x55: {  	_ =	shalt  }
0x56: {  	_ =	shalt  }
0x57: {  	_ =	shalt  }
0x58: {  	_ =	shalt  }
0x59: {  	_ =	shalt  }
0x5a: {  	_ =	shalt  }
0x5b: {  	_ =	shalt  }
0x5c: {  	_ =	shalt  }
0x5d: {  	_ =	shalt  }
0x5e: {  	_ =	shalt  }
0x5f: {  	_ =	shalt  }
0x60: {  	_ =	shalt  }
0x61: {  	_ =	shalt  }
0x62: {  	_ =	shalt  }
0x63: {  	_ =	shalt  }
0x64: {  	_ =	shalt  }
0x65: {  	_ =	shalt  }
0x66: {  	_ =	shalt  }
0x67: {  	_ =	shalt  }
0x68: {  	_ =	shalt  }
0x69: {  	_ =	shalt  }
0x6a: {  	_ =	shalt  }
0x6b: {  	_ =	shalt  }
0x6c: {  	_ =	shalt  }
0x6d: {  	_ =	shalt  }
0x6e: {  	_ =	shalt  }
0x6f: {  	_ =	shalt  }
0x70: {  	_ =	shalt  }
0x71: {  	_ =	shalt  }
0x72: {  	_ =	shalt  }
0x73: {  	_ =	shalt  }
0x74: {  	_ =	shalt  }
0x75: {  	_ =	shalt  }
0x76: {  	_ =	shalt  }
0x77: {  	_ =	shalt  }
0x78: {  	_ =	shalt  }
0x79: {  	_ =	shalt  }
0x7a: {  	_ =	shalt  }
0x7b: {  	_ =	shalt  }
0x7c: {  	_ =	shalt  }
0x7d: {  	_ =	shalt  }
0x7e: {  	_ =	shalt  }
0x7f: {  	_ =	shalt  }
0x80: {  	_ =	shalt  }
0x81: {  	_ =	shalt  }
0x82: {  	_ =	shalt  }
0x83: {  	_ =	shalt  }
0x84: {  	_ =	shalt  }
0x85: {  	_ =	shalt  }
0x86: {  	_ =	shalt  }
0x87: {  	_ =	shalt  }
.Lfunc_end0:
.L_simem_size_0:
called_computation_lowered:
.L_overlay_start_0:
0x88: {  	s2 =	sld [smem:$0x3FD9]  }
0x89: {  	s3 =	sld [smem:$0x3FFE];
	_ =	sdelay $0x1  }
0x8a: {  	s1 =	srdreg.scid  }
0x8b: {  	s0 =	sand.u32 $0x1, s1  }
0x8c: {  	s17 =	sshll.u32 s0, $0xA;
	s2 =	sadd.s32 s3, s2  }
0x8d: {  	s2 =	sadd.s32 s2, s17  }
0x8e: {  	[smem:$0x3FC1] =	sst s2  }
0x8f: {  	_ = 	snop  }
0x90: {  	s2 =	sld [smem:$0x3FC6]  }
0x91: {  	s18 =	sld [smem:$0x3FC5]  }
0x92: {  	s4 =	sld [smem:$0x3FC4]  }
0x93: {  	s5 =	sld [smem:$0x3FC3]  }
0x94: {  	s6 =	sld [smem:$0x3FD0];
	(tm) =	ssettm $0x1  }
0x95: {  	s7 =	sld [smem:$0x3FFB];
	_ =	sdelay $0x3  }
0x96: {  	_ =	strace s7  }
0x97: {  	s7 =	sld [smem:$0x3FFC];
	_ =	sdelay $0x3  }
0x98: {  	_ =	strace s7  }
0x99: {  	s7 =	sld [smem:$0x3FFD];
	_ =	sdelay $0x3  }
0x9a: {  	_ =	strace s7  }
0x9b: {  	_ =	strace $0x8FFFFFFF  }
0x9c: {  	s19 =	sld [smem:$0x3FDB];
	_ =	sdelay $0x1  }
0x9d: {  	s8 =	simm.s32 $_scs_section_size  }
0x9e: {  	s9 =	simm.s32 $_size__tile_overlayer_lowered;
	s10 =	simm.s32 $_tile_overlayer_lowered  }
0x9f: {  	s22 =	simm.s32 $0x1BFF;
	s21 =	sshll.u32 s10, $0x1;
	s7 =	sadd.s32 s8, s19  }
0xa0: {  	s11 =	simm.s32 $0x0;
	s20 =	sshll.u32 s9, $0x1;
	s9 =	sadd.s32 s21, s7  }
0xa1: {  	[timem:s11], [sflag:s22] =	dma.local [hbm:s9], s20  }
0xa2: {  	_ =	swait.ge [sflag:s22], s20  }
0xa3: {  	s8 =	ssub.s32 $0x0, s20;
	[sflag:s22] =	ssyncset.done $0x0  }
0xa4: {  	[sflag:s22] =	ssyncadd.s32 s8;
	_ =	sdelay $0x1  }
0xa5: {  	s23 =	simm.s32 $0x1B8B  }
0xa6: {  	_ =	swait.ge [sflag:s23], $0x1  }
0xa7: {  	[sflag:s23] =	ssyncset.done $0x0  }
0xa8: {  	s25 =	simm.s32 $0x1B8E;
	s24 =	sld [smem:$0x3FFE];
	[sflag:s23] =	ssyncadd.s32 $0xFFFFFFFF  }
0xa9: {  	s26 =	simm.s32 $execute0_lowered;
	[smem:$0x3FD2] =	sst s25  }
0xaa: {  	s9 =	sshll.u32 s26, $0x1;
	_ =	strace $0x80000046;
	[dreg:$0x1] =	wrdreg $0xFFFFFFFF  }
0xab: {  	s28 =	simm.s32 $_size_execute0_lowered;
	s7 =	sadd.s32 s7, s9;
	[dreg:$0x0] =	wrdreg $0x0  }
0xac: {  	s9 =	sshll.u32 s28, $0x1;
	[dreg:$0x2] =	wrdreg s7  }
0xad: {  	[dreg:$0x3] =	wrdreg s9  }
0xae: {  	[dreg:$0x4] =	wrdreg $0xC0  }
0xaf: {  	_ =	task [dreg:s11], $0x5FFFF  }
0xb0: {  	[dreg:$0x1] =	wrdreg $0xFFFFFFFF  }
0xb1: {  	[dreg:$0x0] =	wrdreg $0x60  }
0xb2: {  	[dreg:$0x2] =	wrdreg s6  }
0xb3: {  	[dreg:$0x3] =	wrdreg s2  }
0xb4: {  	[dreg:$0x4] =	wrdreg s18  }
0xb5: {  	[dreg:$0x5] =	wrdreg s4  }
0xb6: {  	[dreg:$0x6] =	wrdreg s5  }
0xb7: {  	[dreg:$0x7] =	wrdreg s24  }
0xb8: {  	[dreg:$0x8] =	wrdreg $0x9  }
0xb9: {  	_ =	task.clear_ibuf [dreg:s11], $0x9FFFF;
	_ =	strace $0x90000046  }
0xba: {  	s29 =	simm.s32 $0x9;
	_ =	strace $0x80000048  }
0xbb: {  	_ =	swait.ge [sflag:s29], $0x1  }
0xbc: {  	[sflag:s29] =	ssyncadd.s32 $0xFFFFFFFF  }
0xbd: {  	_ =	strace $0x90000048  }
0xbe: {  	_ =	sfence  }
0xbf: {  	s30 =	sld [smem:$0x0];
	_ =	sdelay $0x2  }
0xc0: {  	s31 =	sshll.u32 s1, $0xD;
	s1 =	sshrl.u32 s1, $0x2  }
0xc1: {  	s3 =	sand.u32 $0x4000, s31;
	s1 =	sadd.s32 s1, s30  }
0xc2: {  	s0 =	sor.u32 s3, s0;
	s1 =	sshll.u32 s1, $0x11  }
0xc3: {  	s0 =	sor.u32 s1, s0  }
0xc4: {  	s0 =	sadd.s32 $0x8F2B, s0  }
0xc5: {  	[sflag:s0] =	ssyncadd.remote.s32 $0x1  }
0xc6: {  	_ =	sfence.sel $0xFFFF  }
0xc7: {  	[dreg:$0x0] =	wrdreg $0xFFFFFFFF;
	(pc) =	sbr.abs _section_cstart, $3  }
0xc8: {  	[dreg:$0x1] =	wrdreg $0xFFFFFFFF  }
0xc9: {  	_ =	task.clear_ibuf [dreg:s11], $0x2FFFF;
	_ =	strace $0x9FFFFFFF  }
0xca: {  	(tm) =	ssettm $0x7FFFFFFF  }
0xcb: {  	_ =	shalt  }
tec
execute0_lowered:
.L_overlay_start_1:
0x0: {  	(tag) =	ssettag $0x1  }
0x1: {  	s1 =	rddreg [dreg:$0x0]  }
0x2: {  	s2 =	rddreg [dreg:$0x1]  }
0x3: {  	s3 =	rddreg [dreg:$0x2]  }
0x4: {  	s5 =	rddreg [dreg:$0x3]  }
0x5: {  	s6 =	rddreg [dreg:$0x4]  }
0x6: {  	s8 =	rddreg [dreg:$0x5];
	s7 =	simm.s32 $0x0  }
0x7: {  	s22 =	simm.s32 $0x100;
	[smem:$0x7FF] =	sst s7  }
0x8: {  	s23 =	simm.s32 $0x180;
	_ =	strace $0x80000047;
	[dreg:$0x7] =	wrdreg s22  }
0x9: {  	s24 =	simm.s32 $0x200;
	[dreg:$0x8] =	wrdreg s23  }
0xa: {  	s14 =	simm.s32 $0x280;
	[dreg:$0x9] =	wrdreg s24  }
0xb: {  	s0 =	stileid.u32;
	s25 =	simm.s32 $0x300;
	[dreg:$0xa] =	wrdreg s14  }
0xc: {  	s9 =	srdreg.scid;
	s26 =	simm.s32 $0x380;
	[dreg:$0xb] =	wrdreg s25  }
0xd: {  	s28 =	simm.s32 $0x400;
	s29 =	simm.s32 $0x480;
	[dreg:$0xc] =	wrdreg s26  }
0xe: {  	s30 =	simm.s32 $0x500;
	s31 =	simm.s32 $0x880;
	[dreg:$0xd] =	wrdreg s28  }
0xf: {  	s15 =	simm.s32 $0x900;
	s16 =	simm.s32 $0x980;
	[dreg:$0xe] =	wrdreg s29  }
0x10: {  	s17 =	simm.s32 $0xA00;
	s18 =	simm.s32 $0xA80;
	[dreg:$0xf] =	wrdreg s30  }
0x11: {  	s10 =	smul.u32 $0x22000, s0;
	s11 =	sand.u32 $0x1, s9;
	[dreg:$0x10] =	wrdreg s31  }
0x12: {  	s21 =	sshll.u32 s0, $0x6;
	s9 =	ssub.s32 $0x2, s11;
	[dreg:$0x11] =	wrdreg s15  }
0x13: {  	s13 =	sshll.u32 s11, $0x5;
	s11 =	smul.u32 $0x11000, s11;
	[dreg:$0x12] =	wrdreg s16  }
0x14: {  	s14 =	simm.s32 $0x7;
	s15 =	simm.s32 $0x5400;
	[dreg:$0x13] =	wrdreg s17  }
0x15: {  	s16 =	simm.s32 $0x80;
	s17 =	simm.s32 $0x1080;
	[dreg:$0x14] =	wrdreg s18  }
0x16: {  	s18 =	simm.s32 $0x800;
	s22 =	simm.s32 $0xC80;
	s23 =	simm.s32 $0xD00  }
0x17: {  	s24 =	simm.s32 $0x1;
	s25 =	simm.s32 $0x6;
	s26 =	simm.s32 $0x0  }
0x18: {  	s12 =	sadd.s32 s10, s8;
	s19 =	sshrl.u32 s9, $0x1;
	s8 =	sor.u32 s13, s21  }
0x19: {  	s21 =	simm.s32 $0xC00;
	[dreg:$0x18] =	wrdreg s22;
	s22 =	simm.s32 $0x4  }
0x1a: {  	[dreg:$0x19] =	wrdreg s23;
	s23 =	simm.s32 $0x5;
	s20 =	ssub.s32 s9, s19  }
0x1b: {  	s13 =	sshll.u32 s8, $0x8;
	s11 =	sadd.s32 s11, s12;
	s19 =	simm.s32 $0xB00  }
0x1c: {  	[dreg:$0x17] =	wrdreg s21;
	s21 =	simm.s32 $0x5480;
	s9 =	sadd.s32 s1, s13  }
0x1d: {  	s10 =	smax.u32 s20, $0x1;
	s11 =	sadd.s32 $0x1080, s11;
	s13 =	simm.s32 $0x1000  }
0x1e: {  	[dreg:$0x15] =	wrdreg s19;
	s20 =	simm.s32 $0xB80;
	s19 =	simm.s32 $0x3  }
0x1f: {  	s12 =	sadd.s32 $0x100, s9;
	[dreg:$0x16] =	wrdreg s20;
	s20 =	simm.s32 $0x2  }
.LBB2_1:
0x20: {  	[tilespmem:s13], [sflag:$0x7] =	stream.linear.gather [hbm4b:s6+s7], $0x80, $0x38;
	[tilespmem:$0x9800] =	vst v63  }
0x21: {  	_ =	swait.ge [sflag:s14], $0x80  }
0x22: {  	[sflag:s14] =	ssyncset.done $0x0  }
0x23: {  	[sflag:s14] =	ssyncadd.s32 $0xFFFFFF80  }
0x24: {  	[tilespmem:s15], [sflag:$0x7] =	stream.linear.gather [hbm4b:s6+s7], $0x80, $0x38;
	[tilespmem:$0x9800] =	vst v63  }
0x25: {  	_ =	swait.ge [sflag:s14], $0x80  }
0x26: {  	[sflag:s14] =	ssyncset.done $0x0  }
0x27: {  	[sflag:s14] =	ssyncadd.s32 $0xFFFFFF80  }
0x28: {  	[tilespmem:s7], [sflag:$0x7] =	stream.linear.gather [hbm4b:s9+s7], $0x580, $0x38;
	[tilespmem:$0x9800] =	vst v63  }
0x29: {  	_ =	swait.ge [sflag:s14], $0x580  }
0x2a: {  	[sflag:s14] =	ssyncset.done $0x0  }
0x2b: {  	[sflag:s14] =	ssyncadd.s32 $0xFFFFFA80  }
0x2c: {  	[tilespmem:s17], [sflag:$0x3] =	stream.indirect.gather [hbm4b:s2+s16], $0x80, s7, s16, $0xb8;
	[tilespmem:$0x9800] =	vst v63  }
0x2d: {  	_ = 	snop  }
0x2e: {  	[tilespmem:s18], [sflag:$0x2] =	stream.linear.gather [hbm4b:s12+s7], $0x580, $0x38;
	[tilespmem:$0x9800] =	vst v63  }
0x2f: {  	_ =	swait.ge [sflag:s19], $0x4000  }
0x30: {  	[sflag:s19] =	ssyncset.done $0x0  }
0x31: {  	[sflag:s19] =	ssyncadd.s32 $0xFFFFC000  }
0x32: {  	[tilespmem:s17], [sflag:$0x5] =	stream.indirect.gather.add.f32 [hbm:s2], $0x80, s16, s16, $0xb8;
	[tilespmem:$0x9800] =	vst v63  }
0x33: {  	s28 =	rddreg [dreg:$0x7]  }
0x34: {  	[tilespmem:s17], [sflag:$0x5] =	stream.indirect.gather.add.f32 [hbm:s2], $0x80, s28, s16, $0xb8;
	[tilespmem:$0x9800] =	vst v63  }
0x35: {  	s29 =	rddreg [dreg:$0x8]  }
0x36: {  	[tilespmem:s17], [sflag:$0x5] =	stream.indirect.gather.add.f32 [hbm:s2], $0x80, s29, s16, $0xb8;
	[tilespmem:$0x9800] =	vst v63  }
0x37: {  	s28 =	rddreg [dreg:$0x9]  }
0x38: {  	[tilespmem:s17], [sflag:$0x5] =	stream.indirect.gather.add.f32 [hbm:s2], $0x80, s28, s16, $0xb8;
	[tilespmem:$0x9800] =	vst v63  }
0x39: {  	s29 =	rddreg [dreg:$0xa]  }
0x3a: {  	[tilespmem:s17], [sflag:$0x5] =	stream.indirect.gather.add.f32 [hbm:s2], $0x80, s29, s16, $0xb8;
	[tilespmem:$0x9800] =	vst v63  }
0x3b: {  	s28 =	rddreg [dreg:$0xb]  }
0x3c: {  	[tilespmem:s17], [sflag:$0x5] =	stream.indirect.gather.add.f32 [hbm:s2], $0x80, s28, s16, $0xb8;
	[tilespmem:$0x9800] =	vst v63  }
0x3d: {  	s29 =	rddreg [dreg:$0xc]  }
0x3e: {  	[tilespmem:s17], [sflag:$0x5] =	stream.indirect.gather.add.f32 [hbm:s2], $0x80, s29, s16, $0xb8;
	[tilespmem:$0x9800] =	vst v63  }
0x3f: {  	s28 =	rddreg [dreg:$0xd]  }
0x40: {  	[tilespmem:s17], [sflag:$0x5] =	stream.indirect.gather.add.f32 [hbm:s2], $0x80, s28, s16, $0xb8;
	[tilespmem:$0x9800] =	vst v63  }
0x41: {  	s29 =	rddreg [dreg:$0xe]  }
0x42: {  	[tilespmem:s17], [sflag:$0x5] =	stream.indirect.gather.add.f32 [hbm:s3], $0x80, s29, s16, $0xb8;
	[tilespmem:$0x9800] =	vst v63  }
0x43: {  	s28 =	rddreg [dreg:$0xf]  }
0x44: {  	[tilespmem:s17], [sflag:$0x5] =	stream.indirect.gather.add.f32 [hbm:s5], $0x80, s28, s16, $0xb8;
	[tilespmem:$0x9800] =	vst v63  }
0x45: {  	_ =	swait.ge [sflag:s20], $0x580  }
0x46: {  	[sflag:s20] =	ssyncset.done $0x0  }
0x47: {  	[sflag:s20] =	ssyncadd.s32 $0xFFFFFA80  }
0x48: {  	[tilespmem:s21], [sflag:$0x4] =	stream.indirect.gather [hbm4b:s2+s16], $0x80, s18, s16, $0xb8;
	[tilespmem:$0x9800] =	vst v63  }
0x49: {  	_ =	swait.ge [sflag:s22], $0x4000  }
0x4a: {  	[sflag:s22] =	ssyncset.done $0x0  }
0x4b: {  	s28 =	rddreg [dreg:$0x10];
	[sflag:s22] =	ssyncadd.s32 $0xFFFFC000  }
0x4c: {  	[tilespmem:s21], [sflag:$0x6] =	stream.indirect.gather.add.f32 [hbm:s2], $0x80, s28, s16, $0xb8;
	[tilespmem:$0x9800] =	vst v63  }
0x4d: {  	s29 =	rddreg [dreg:$0x11]  }
0x4e: {  	[tilespmem:s21], [sflag:$0x6] =	stream.indirect.gather.add.f32 [hbm:s2], $0x80, s29, s16, $0xb8;
	[tilespmem:$0x9800] =	vst v63  }
0x4f: {  	s28 =	rddreg [dreg:$0x12]  }
0x50: {  	[tilespmem:s21], [sflag:$0x6] =	stream.indirect.gather.add.f32 [hbm:s2], $0x80, s28, s16, $0xb8;
	[tilespmem:$0x9800] =	vst v63  }
0x51: {  	s29 =	rddreg [dreg:$0x13]  }
0x52: {  	[tilespmem:s21], [sflag:$0x6] =	stream.indirect.gather.add.f32 [hbm:s2], $0x80, s29, s16, $0xb8;
	[tilespmem:$0x9800] =	vst v63  }
0x53: {  	s28 =	rddreg [dreg:$0x14]  }
0x54: {  	[tilespmem:s21], [sflag:$0x6] =	stream.indirect.gather.add.f32 [hbm:s2], $0x80, s28, s16, $0xb8;
	[tilespmem:$0x9800] =	vst v63  }
0x55: {  	s29 =	rddreg [dreg:$0x15]  }
0x56: {  	[tilespmem:s21], [sflag:$0x6] =	stream.indirect.gather.add.f32 [hbm:s2], $0x80, s29, s16, $0xb8;
	[tilespmem:$0x9800] =	vst v63  }
0x57: {  	s28 =	rddreg [dreg:$0x16]  }
0x58: {  	[tilespmem:s21], [sflag:$0x6] =	stream.indirect.gather.add.f32 [hbm:s2], $0x80, s28, s16, $0xb8;
	[tilespmem:$0x9800] =	vst v63  }
0x59: {  	s29 =	rddreg [dreg:$0x17]  }
0x5a: {  	[tilespmem:s21], [sflag:$0x6] =	stream.indirect.gather.add.f32 [hbm:s2], $0x80, s29, s16, $0xb8;
	[tilespmem:$0x9800] =	vst v63  }
0x5b: {  	s28 =	rddreg [dreg:$0x18]  }
0x5c: {  	[tilespmem:s21], [sflag:$0x6] =	stream.indirect.gather.add.f32 [hbm:s3], $0x80, s28, s16, $0xb8;
	[tilespmem:$0x9800] =	vst v63  }
0x5d: {  	s29 =	rddreg [dreg:$0x19]  }
0x5e: {  	[tilespmem:s21], [sflag:$0x6] =	stream.indirect.gather.add.f32 [hbm:s5], $0x80, s29, s16, $0xb8;
	[tilespmem:$0x9800] =	vst v63  }
0x5f: {  	_ =	swait.ge [sflag:s23], $0x4000  }
0x60: {  	[sflag:s23] =	ssyncset.done $0x0  }
0x61: {  	[sflag:s23] =	ssyncadd.s32 $0xFFFFC000  }
0x62: {  	_ =	swait.ge [sflag:s23], $0x4000  }
0x63: {  	[sflag:s23] =	ssyncset.done $0x0  }
0x64: {  	[sflag:s23] =	ssyncadd.s32 $0xFFFFC000  }
0x65: {  	_ =	swait.ge [sflag:s23], $0x4000  }
0x66: {  	[sflag:s23] =	ssyncset.done $0x0  }
0x67: {  	[sflag:s23] =	ssyncadd.s32 $0xFFFFC000  }
0x68: {  	_ =	swait.ge [sflag:s23], $0x4000  }
0x69: {  	[sflag:s23] =	ssyncset.done $0x0  }
0x6a: {  	[sflag:s23] =	ssyncadd.s32 $0xFFFFC000  }
0x6b: {  	_ =	swait.ge [sflag:s23], $0x4000  }
0x6c: {  	[sflag:s23] =	ssyncset.done $0x0  }
0x6d: {  	[sflag:s23] =	ssyncadd.s32 $0xFFFFC000  }
0x6e: {  	_ =	swait.ge [sflag:s23], $0x4000  }
0x6f: {  	[sflag:s23] =	ssyncset.done $0x0  }
0x70: {  	[sflag:s23] =	ssyncadd.s32 $0xFFFFC000  }
0x71: {  	_ =	swait.ge [sflag:s23], $0x4000  }
0x72: {  	[sflag:s23] =	ssyncset.done $0x0  }
0x73: {  	[sflag:s23] =	ssyncadd.s32 $0xFFFFC000  }
0x74: {  	_ =	swait.ge [sflag:s23], $0x4000  }
0x75: {  	[sflag:s23] =	ssyncset.done $0x0  }
0x76: {  	s28 =	sadd.s32 $0x0, s8;
	[sflag:s23] =	ssyncadd.s32 $0xFFFFC000  }
0x77: {  	p0 =	slt.s32 s28, $0x3FD;
	_ =	swait.ge [sflag:s23], $0x4000  }
0x78: {  	s28 =	simm.s32 @!p0 $0x3FD;
	[sflag:s23] =	ssyncset.done $0x0  }
0x79: {  	s28 =	sshll.u32 s28, $0x8;
	[sflag:s23] =	ssyncadd.s32 $0xFFFFC000  }
0x7a: {  	s28 =	sadd.s32 $0x200, s28;
	_ =	swait.ge [sflag:s23], $0x4000  }
0x7b: {  	s28 =	sand.u32 $0x1FFFFF00, s28;
	[sflag:s23] =	ssyncset.done $0x0  }
0x7c: {  	s28 =	sadd.s32 s1, s28;
	[sflag:s23] =	ssyncadd.s32 $0xFFFFC000  }
0x7d: {  	[tilespmem:s7], [sflag:$0x1] =	stream.linear.gather [hbm4b:s28+s7], $0x580, $0x38;
	[tilespmem:$0x9800] =	vst v63  }
0x7e: {  	s28 =	sadd.s32 $0xFFFFF780, s11  }
0x7f: {  	[hbm4b:s28+s7] =	stream.linear.scatter [tilespmem:s13], [sflag:$0x7], $0x4080, $0x38;
	[tilespmem:$0x9800] =	vst v63  }
0x80: {  	_ =	swait.ge [sflag:s14], $0x4080  }
0x81: {  	[sflag:s14] =	ssyncset.done $0x0  }
0x82: {  	[sflag:s14] =	ssyncadd.s32 $0xFFFFBF80  }
0x83: {  	_ =	swait.ge [sflag:s24], $0x580  }
0x84: {  	[sflag:s24] =	ssyncset.done $0x0  }
0x85: {  	[sflag:s24] =	ssyncadd.s32 $0xFFFFFA80  }
0x86: {  	[tilespmem:s17], [sflag:$0x3] =	stream.indirect.gather [hbm4b:s2+s16], $0x80, s7, s16, $0xb8;
	[tilespmem:$0x9800] =	vst v63  }
0x87: {  	_ =	swait.ge [sflag:s25], $0x4000  }
0x88: {  	[sflag:s25] =	ssyncset.done $0x0  }
0x89: {  	[sflag:s25] =	ssyncadd.s32 $0xFFFFC000  }
0x8a: {  	_ =	swait.ge [sflag:s25], $0x4000  }
0x8b: {  	[sflag:s25] =	ssyncset.done $0x0  }
0x8c: {  	[sflag:s25] =	ssyncadd.s32 $0xFFFFC000  }
0x8d: {  	_ =	swait.ge [sflag:s25], $0x4000  }
0x8e: {  	[sflag:s25] =	ssyncset.done $0x0  }
0x8f: {  	[sflag:s25] =	ssyncadd.s32 $0xFFFFC000  }
0x90: {  	_ =	swait.ge [sflag:s25], $0x4000  }
0x91: {  	[sflag:s25] =	ssyncset.done $0x0  }
0x92: {  	[sflag:s25] =	ssyncadd.s32 $0xFFFFC000  }
0x93: {  	_ =	swait.ge [sflag:s25], $0x4000  }
0x94: {  	[sflag:s25] =	ssyncset.done $0x0  }
0x95: {  	[sflag:s25] =	ssyncadd.s32 $0xFFFFC000  }
0x96: {  	_ =	swait.ge [sflag:s25], $0x4000  }
0x97: {  	[sflag:s25] =	ssyncset.done $0x0  }
0x98: {  	[sflag:s25] =	ssyncadd.s32 $0xFFFFC000  }
0x99: {  	_ =	swait.ge [sflag:s25], $0x4000  }
0x9a: {  	[sflag:s25] =	ssyncset.done $0x0  }
0x9b: {  	[sflag:s25] =	ssyncadd.s32 $0xFFFFC000  }
0x9c: {  	_ =	swait.ge [sflag:s25], $0x4000  }
0x9d: {  	[sflag:s25] =	ssyncset.done $0x0  }
0x9e: {  	[sflag:s25] =	ssyncadd.s32 $0xFFFFC000  }
0x9f: {  	_ =	swait.ge [sflag:s25], $0x4000  }
0xa0: {  	[sflag:s25] =	ssyncset.done $0x0  }
0xa1: {  	[sflag:s25] =	ssyncadd.s32 $0xFFFFC000  }
0xa2: {  	_ =	swait.ge [sflag:s25], $0x4000  }
0xa3: {  	[sflag:s25] =	ssyncset.done $0x0  }
0xa4: {  	[sflag:s25] =	ssyncadd.s32 $0xFFFFC000  }
0xa5: {  	[hbm4b:s11+s7] =	stream.linear.scatter [tilespmem:s15], [sflag:$0x7], $0x4080, $0x38;
	[tilespmem:$0x9800] =	vst v63  }
0xa6: {  	s30 =	smov.u32 s12;
	_ =	swait.ge [sflag:s14], $0x4080  }
0xa7: {  	s29 =	smov.u32 s11;
	s28 =	simm.s32 $0x2;
	[sflag:s14] =	ssyncset.done $0x0  }
.LBB2_2:
0xa8: {  	[sflag:s14] =	ssyncadd.s32 $0xFFFFBF80;
	s30 =	sadd.s32 $0x200, s30  }
0xa9: {  	[tilespmem:s18], [sflag:$0x2] =	stream.linear.gather [hbm4b:s30+s7], $0x580, $0x38;
	[tilespmem:$0x9800] =	vst v63  }
0xaa: {  	_ =	swait.ge [sflag:s19], $0x4000  }
0xab: {  	[sflag:s19] =	ssyncset.done $0x0  }
0xac: {  	[sflag:s19] =	ssyncadd.s32 $0xFFFFC000  }
0xad: {  	[tilespmem:s17], [sflag:$0x5] =	stream.indirect.gather.add.f32 [hbm:s2], $0x80, s16, s16, $0xb8;
	[tilespmem:$0x9800] =	vst v63  }
0xae: {  	s0 =	rddreg [dreg:$0x7]  }
0xaf: {  	[tilespmem:s17], [sflag:$0x5] =	stream.indirect.gather.add.f32 [hbm:s2], $0x80, s0, s16, $0xb8;
	[tilespmem:$0x9800] =	vst v63  }
0xb0: {  	s4 =	rddreg [dreg:$0x8]  }
0xb1: {  	[tilespmem:s17], [sflag:$0x5] =	stream.indirect.gather.add.f32 [hbm:s2], $0x80, s4, s16, $0xb8;
	[tilespmem:$0x9800] =	vst v63  }
0xb2: {  	s0 =	rddreg [dreg:$0x9]  }
0xb3: {  	[tilespmem:s17], [sflag:$0x5] =	stream.indirect.gather.add.f32 [hbm:s2], $0x80, s0, s16, $0xb8;
	[tilespmem:$0x9800] =	vst v63  }
0xb4: {  	s4 =	rddreg [dreg:$0xa]  }
0xb5: {  	[tilespmem:s17], [sflag:$0x5] =	stream.indirect.gather.add.f32 [hbm:s2], $0x80, s4, s16, $0xb8;
	[tilespmem:$0x9800] =	vst v63  }
0xb6: {  	s0 =	rddreg [dreg:$0xb]  }
0xb7: {  	[tilespmem:s17], [sflag:$0x5] =	stream.indirect.gather.add.f32 [hbm:s2], $0x80, s0, s16, $0xb8;
	[tilespmem:$0x9800] =	vst v63  }
0xb8: {  	s4 =	rddreg [dreg:$0xc]  }
0xb9: {  	[tilespmem:s17], [sflag:$0x5] =	stream.indirect.gather.add.f32 [hbm:s2], $0x80, s4, s16, $0xb8;
	[tilespmem:$0x9800] =	vst v63  }
0xba: {  	s0 =	rddreg [dreg:$0xd]  }
0xbb: {  	[tilespmem:s17], [sflag:$0x5] =	stream.indirect.gather.add.f32 [hbm:s2], $0x80, s0, s16, $0xb8;
	[tilespmem:$0x9800] =	vst v63  }
0xbc: {  	s4 =	rddreg [dreg:$0xe]  }
0xbd: {  	[tilespmem:s17], [sflag:$0x5] =	stream.indirect.gather.add.f32 [hbm:s3], $0x80, s4, s16, $0xb8;
	[tilespmem:$0x9800] =	vst v63  }
0xbe: {  	s0 =	rddreg [dreg:$0xf]  }
0xbf: {  	[tilespmem:s17], [sflag:$0x5] =	stream.indirect.gather.add.f32 [hbm:s5], $0x80, s0, s16, $0xb8;
	[tilespmem:$0x9800] =	vst v63  }
0xc0: {  	_ =	swait.ge [sflag:s20], $0x580  }
0xc1: {  	[sflag:s20] =	ssyncset.done $0x0  }
0xc2: {  	[sflag:s20] =	ssyncadd.s32 $0xFFFFFA80  }
0xc3: {  	[tilespmem:s21], [sflag:$0x4] =	stream.indirect.gather [hbm4b:s2+s16], $0x80, s18, s16, $0xb8;
	[tilespmem:$0x9800] =	vst v63  }
0xc4: {  	_ =	swait.ge [sflag:s22], $0x4000  }
0xc5: {  	[sflag:s22] =	ssyncset.done $0x0  }
0xc6: {  	s0 =	rddreg [dreg:$0x10];
	[sflag:s22] =	ssyncadd.s32 $0xFFFFC000  }
0xc7: {  	[tilespmem:s21], [sflag:$0x6] =	stream.indirect.gather.add.f32 [hbm:s2], $0x80, s0, s16, $0xb8;
	[tilespmem:$0x9800] =	vst v63  }
0xc8: {  	s4 =	rddreg [dreg:$0x11]  }
0xc9: {  	[tilespmem:s21], [sflag:$0x6] =	stream.indirect.gather.add.f32 [hbm:s2], $0x80, s4, s16, $0xb8;
	[tilespmem:$0x9800] =	vst v63  }
0xca: {  	s0 =	rddreg [dreg:$0x12]  }
0xcb: {  	[tilespmem:s21], [sflag:$0x6] =	stream.indirect.gather.add.f32 [hbm:s2], $0x80, s0, s16, $0xb8;
	[tilespmem:$0x9800] =	vst v63  }
0xcc: {  	s4 =	rddreg [dreg:$0x13]  }
0xcd: {  	[tilespmem:s21], [sflag:$0x6] =	stream.indirect.gather.add.f32 [hbm:s2], $0x80, s4, s16, $0xb8;
	[tilespmem:$0x9800] =	vst v63  }
0xce: {  	s0 =	rddreg [dreg:$0x14]  }
0xcf: {  	[tilespmem:s21], [sflag:$0x6] =	stream.indirect.gather.add.f32 [hbm:s2], $0x80, s0, s16, $0xb8;
	[tilespmem:$0x9800] =	vst v63  }
0xd0: {  	s4 =	rddreg [dreg:$0x15]  }
0xd1: {  	[tilespmem:s21], [sflag:$0x6] =	stream.indirect.gather.add.f32 [hbm:s2], $0x80, s4, s16, $0xb8;
	[tilespmem:$0x9800] =	vst v63  }
0xd2: {  	s0 =	rddreg [dreg:$0x16]  }
0xd3: {  	[tilespmem:s21], [sflag:$0x6] =	stream.indirect.gather.add.f32 [hbm:s2], $0x80, s0, s16, $0xb8;
	[tilespmem:$0x9800] =	vst v63  }
0xd4: {  	s4 =	rddreg [dreg:$0x17]  }
0xd5: {  	[tilespmem:s21], [sflag:$0x6] =	stream.indirect.gather.add.f32 [hbm:s2], $0x80, s4, s16, $0xb8;
	[tilespmem:$0x9800] =	vst v63  }
0xd6: {  	s0 =	rddreg [dreg:$0x18]  }
0xd7: {  	[tilespmem:s21], [sflag:$0x6] =	stream.indirect.gather.add.f32 [hbm:s3], $0x80, s0, s16, $0xb8;
	[tilespmem:$0x9800] =	vst v63  }
0xd8: {  	s4 =	rddreg [dreg:$0x19]  }
0xd9: {  	[tilespmem:s21], [sflag:$0x6] =	stream.indirect.gather.add.f32 [hbm:s5], $0x80, s4, s16, $0xb8;
	[tilespmem:$0x9800] =	vst v63  }
0xda: {  	_ =	swait.ge [sflag:s23], $0x4000  }
0xdb: {  	[sflag:s23] =	ssyncset.done $0x0  }
0xdc: {  	[sflag:s23] =	ssyncadd.s32 $0xFFFFC000  }
0xdd: {  	_ =	swait.ge [sflag:s23], $0x4000  }
0xde: {  	[sflag:s23] =	ssyncset.done $0x0  }
0xdf: {  	[sflag:s23] =	ssyncadd.s32 $0xFFFFC000  }
0xe0: {  	_ =	swait.ge [sflag:s23], $0x4000  }
0xe1: {  	[sflag:s23] =	ssyncset.done $0x0  }
0xe2: {  	[sflag:s23] =	ssyncadd.s32 $0xFFFFC000  }
0xe3: {  	_ =	swait.ge [sflag:s23], $0x4000  }
0xe4: {  	[sflag:s23] =	ssyncset.done $0x0  }
0xe5: {  	[sflag:s23] =	ssyncadd.s32 $0xFFFFC000  }
0xe6: {  	_ =	swait.ge [sflag:s23], $0x4000  }
0xe7: {  	[sflag:s23] =	ssyncset.done $0x0  }
0xe8: {  	[sflag:s23] =	ssyncadd.s32 $0xFFFFC000  }
0xe9: {  	_ =	swait.ge [sflag:s23], $0x4000  }
0xea: {  	[sflag:s23] =	ssyncset.done $0x0  }
0xeb: {  	[sflag:s23] =	ssyncadd.s32 $0xFFFFC000  }
0xec: {  	_ =	swait.ge [sflag:s23], $0x4000  }
0xed: {  	[sflag:s23] =	ssyncset.done $0x0  }
0xee: {  	[sflag:s23] =	ssyncadd.s32 $0xFFFFC000  }
0xef: {  	_ =	swait.ge [sflag:s23], $0x4000  }
0xf0: {  	s31 =	smov.u32 s28;
	[sflag:s23] =	ssyncset.done $0x0  }
0xf1: {  	s0 =	sadd.s32 s31, s8;
	[sflag:s23] =	ssyncadd.s32 $0xFFFFC000  }
0xf2: {  	p1 =	slt.s32 s0, $0x3FD;
	_ =	swait.ge [sflag:s23], $0x4000  }
0xf3: {  	s0 =	simm.s32 @!p1 $0x3FD;
	[sflag:s23] =	ssyncset.done $0x0  }
0xf4: {  	s0 =	sshll.u32 s0, $0x8;
	[sflag:s23] =	ssyncadd.s32 $0xFFFFC000  }
0xf5: {  	s0 =	sadd.s32 $0x200, s0;
	_ =	swait.ge [sflag:s23], $0x4000  }
0xf6: {  	s0 =	sand.u32 $0x1FFFFF00, s0;
	[sflag:s23] =	ssyncset.done $0x0  }
0xf7: {  	s29 =	sadd.s32 $0x1100, s29;
	s0 =	sadd.s32 s1, s0;
	[sflag:s23] =	ssyncadd.s32 $0xFFFFC000  }
0xf8: {  	[tilespmem:s7], [sflag:$0x1] =	stream.linear.gather [hbm4b:s0+s7], $0x580, $0x38;
	[tilespmem:$0x9800] =	vst v63  }
0xf9: {  	s31 =	sadd.s32 $0xFFFFF780, s29  }
0xfa: {  	[hbm4b:s31+s7] =	stream.linear.scatter [tilespmem:s13], [sflag:$0x7], $0x4080, $0x38;
	[tilespmem:$0x9800] =	vst v63  }
0xfb: {  	_ =	swait.ge [sflag:s14], $0x4080  }
0xfc: {  	[sflag:s14] =	ssyncset.done $0x0  }
0xfd: {  	[sflag:s14] =	ssyncadd.s32 $0xFFFFBF80  }
0xfe: {  	_ =	swait.ge [sflag:s24], $0x580  }
0xff: {  	[sflag:s24] =	ssyncset.done $0x0  }
0x100: {  	[sflag:s24] =	ssyncadd.s32 $0xFFFFFA80  }
0x101: {  	[tilespmem:s17], [sflag:$0x3] =	stream.indirect.gather [hbm4b:s2+s16], $0x80, s7, s16, $0xb8;
	[tilespmem:$0x9800] =	vst v63  }
0x102: {  	_ =	swait.ge [sflag:s25], $0x4000  }
0x103: {  	[sflag:s25] =	ssyncset.done $0x0  }
0x104: {  	[sflag:s25] =	ssyncadd.s32 $0xFFFFC000  }
0x105: {  	_ =	swait.ge [sflag:s25], $0x4000  }
0x106: {  	[sflag:s25] =	ssyncset.done $0x0  }
0x107: {  	[sflag:s25] =	ssyncadd.s32 $0xFFFFC000  }
0x108: {  	_ =	swait.ge [sflag:s25], $0x4000  }
0x109: {  	[sflag:s25] =	ssyncset.done $0x0  }
0x10a: {  	[sflag:s25] =	ssyncadd.s32 $0xFFFFC000  }
0x10b: {  	_ =	swait.ge [sflag:s25], $0x4000  }
0x10c: {  	[sflag:s25] =	ssyncset.done $0x0  }
0x10d: {  	[sflag:s25] =	ssyncadd.s32 $0xFFFFC000  }
0x10e: {  	_ =	swait.ge [sflag:s25], $0x4000  }
0x10f: {  	[sflag:s25] =	ssyncset.done $0x0  }
0x110: {  	[sflag:s25] =	ssyncadd.s32 $0xFFFFC000  }
0x111: {  	_ =	swait.ge [sflag:s25], $0x4000  }
0x112: {  	[sflag:s25] =	ssyncset.done $0x0  }
0x113: {  	[sflag:s25] =	ssyncadd.s32 $0xFFFFC000  }
0x114: {  	_ =	swait.ge [sflag:s25], $0x4000  }
0x115: {  	[sflag:s25] =	ssyncset.done $0x0  }
0x116: {  	[sflag:s25] =	ssyncadd.s32 $0xFFFFC000  }
0x117: {  	_ =	swait.ge [sflag:s25], $0x4000  }
0x118: {  	[sflag:s25] =	ssyncset.done $0x0  }
0x119: {  	[sflag:s25] =	ssyncadd.s32 $0xFFFFC000  }
0x11a: {  	_ =	swait.ge [sflag:s25], $0x4000  }
0x11b: {  	[sflag:s25] =	ssyncset.done $0x0  }
0x11c: {  	[sflag:s25] =	ssyncadd.s32 $0xFFFFC000  }
0x11d: {  	p0 =	sne.s32 s28, $0x1E;
	_ =	swait.ge [sflag:s25], $0x4000  }
.Ltmp0:
0x11e: {  	[sflag:s25] =	ssyncset.done $0x0;
	(pc) =	sbr.rel @p0 .LBB2_2-.Ltmp0, $4  }
0x11f: {  	[sflag:s25] =	ssyncadd.s32 $0xFFFFC000  }
0x120: {  	[hbm4b:s29+s7] =	stream.linear.scatter [tilespmem:s15], [sflag:$0x7], $0x4080, $0x38;
	[tilespmem:$0x9800] =	vst v63  }
0x121: {  	_ =	swait.ge [sflag:s14], $0x4080  }
0x122: {  	s28 =	sadd.s32 $0x2, s28;
	[sflag:s14] =	ssyncset.done $0x0  }
0x123: {  	s26 =	sadd.s32 $0x1, s26  }
0x124: {  	p0 =	sne.s32 s26, s10  }
.Ltmp1:
0x125: {  	_ = 	snop;
	(pc) =	sbr.rel @p0 .LBB2_1-.Ltmp1, $4  }
0x126: {  	[sflag:s14] =	ssyncadd.s32 $0xFFFFBF80  }
0x127: {  	_ =	swait.ge [sflag:s19], $0x4000  }
0x128: {  	[sflag:s19] =	ssyncset.done $0x0  }
0x129: {  	[sflag:s19] =	ssyncadd.s32 $0xFFFFC000  }
0x12a: {  	_ =	sfence.sel $0x180000  }
0x12b: {  	[bflag:$0x0] =	sbarrier.arrive $0xFFFF  }
0x12c: {  	_ =	strace $0x90000047  }
0x12d: {  	s0 =	stileid.u32;
	[bflag:$0x2] =	sbarrier.arrive $0xFFFF  }
0x12e: {  	p0 =	sne.s32 s0, $0x0;
	s0 =	rddreg [dreg:$0x6]  }
0x12f: {  	s0 =	sadd.s32 @!p0 $0x100000, s0  }
0x130: {  	[sflag:s0] =	ssyncadd.tile.s32 @!p0 $0x1;
	_ =	shalt  }
.Lfunc_end2:
_tile_overlayer_lowered:
.L_overlay_start_2:
0x131: {  	(tag) =	ssettag $0x2  }
0x132: {  	s0 =	rddreg [dreg:$0x0];
	s2 =	stileid.u32  }
0x133: {  	s1 =	rddreg [dreg:$0x1];
	p0 =	sne.s32 s2, $0x0  }
0x134: {  	s3 =	rddreg [dreg:$0x2];
	[bflag:$0x3] =	sbarrier.arrive $0xFFFF;
	s2 =	simm.s32 @!p0 $0x1C07  }
0x135: {  	[timem:s3], [sflag:s2] =	dma.local @!p0 [hbm:s0], s1  }
0x136: {  	s0 =	simm.s32 @!p0 $0x7  }
0x137: {  	_ =	swait.ge @!p0 [sflag:s0], s1  }
0x138: {  	s1 =	ssub.s32 @!p0 $0x0, s1;
	[sflag:s0] =	ssyncset.done @!p0 $0x0  }
0x139: {  	[sflag:s0] =	ssyncadd.s32 @!p0 s1  }
0x13a: {  	[bflag:$0x3] =	sbarrier.arrive $0xFFFF  }
0x13b: {  	_ =	shalt  }

</sc_bundles>
